<compile_context>
chip_gen: v7x
topology: tpu7x:2x2x1
jax: 0.10.2.dev20260603
libtpu: 0.0.44.dev20260713+nightly
codegen_flags: <defaults>
</compile_context>

<pallas_src>
import jax
import jax.numpy as jnp
from jax import lax
from jax.experimental import pallas as pl
from jax.experimental.pallas import tpu as pltpu
from jax.experimental.pallas import tpu_sc as plsc

N = 10000
E = 320000
D = 128
DH = D // 2
OUT = 121

NC, NS = 2, 16
CH = 128
NP = 10240
STRIPE = NP // NS
KBUF = 2
NCHUNK = KBUF * (-(-E // (NS * CH * KBUF)))
EPAD = NS * CH * NCHUNK


def _sc_agg(with_cnt):
    mesh = plsc.VectorSubcoreMesh(core_axis_name="c", subcore_axis_name="s")
    out_type = [jax.ShapeDtypeStruct((NC, NP, DH), jnp.float32)]
    scratch = [
        pltpu.VMEM((2, NCHUNK, CH), jnp.int32),
    ] + [pltpu.VMEM((CH, DH), jnp.float32) for _ in range(KBUF)] + [
        pltpu.VMEM((CH, DH), jnp.float32),
        pltpu.VMEM_SHARED((NP, DH), jnp.float32),
    ] + [pltpu.SemaphoreType.DMA for _ in range(KBUF)]
    if with_cnt:
        out_type.append(jax.ShapeDtypeStruct((NC, NP), jnp.float32))
        scratch += [
            pltpu.VMEM((CH,), jnp.float32),
            pltpu.VMEM((STRIPE,), jnp.float32),
            pltpu.VMEM_SHARED((NP,), jnp.float32),
            pltpu.SemaphoreType.DMA,
        ]

    def body(x2_hbm, edges_hbm, *rest):
        if with_cnt:
            sums_out, cnt_out = rest[0], rest[1]
            rest = rest[2:]
        else:
            sums_out = rest[0]
            rest = rest[1:]
        idx_v = rest[0]
        bufs = rest[1:1 + KBUF]
        zero_v = rest[1 + KBUF]
        sums_sh = rest[2 + KBUF]
        gsems = rest[3 + KBUF:3 + 2 * KBUF]
        if with_cnt:
            ones_v, zcnt_v, cnt_sh, csem = rest[3 + 2 * KBUF:]
        cid = lax.axis_index("c")
        sid = lax.axis_index("s")

        pltpu.sync_copy(edges_hbm.at[sid], idx_v)
        src_v = idx_v.at[0]
        dst_v = idx_v.at[1]

        @pl.loop(0, CH)
        def _zero_rows(i):
            for j in range(DH // 16):
                zero_v[i, pl.ds(j * 16, 16)] = jnp.zeros((16,), jnp.float32)

        for k in range(STRIPE // CH):
            pltpu.sync_copy(zero_v, sums_sh.at[pl.ds(sid * STRIPE + k * CH, CH)])
        if with_cnt:
            @pl.loop(0, STRIPE // 16)
            def _zero_cnt(i):
                zcnt_v[pl.ds(i * 16, 16)] = jnp.zeros((16,), jnp.float32)

            @pl.loop(0, CH // 16)
            def _ones(i):
                ones_v[pl.ds(i * 16, 16)] = jnp.ones((16,), jnp.float32)

            pltpu.sync_copy(zcnt_v, cnt_sh.at[pl.ds(sid * STRIPE, STRIPE)])
        plsc.subcore_barrier()

        cnt_lo = cid * (NCHUNK // 2)
        cnt_hi = cnt_lo + NCHUNK // 2

        def _maybe_cnt(j):
            if with_cnt:
                @pl.when((j >= cnt_lo) & (j < cnt_hi))
                def _():
                    pltpu.async_copy(ones_v, cnt_sh.at[dst_v.at[j]], csem,
                                     add=True)

        for b in range(KBUF):
            pltpu.async_copy(x2_hbm.at[cid].at[src_v.at[b]], bufs[b], gsems[b])

        @pl.loop(0, NCHUNK, step=KBUF)
        def _chunk(j):
            for b in range(KBUF):
                jj = j + b
                pltpu.make_async_copy(x2_hbm.at[cid].at[src_v.at[jj]],
                                      bufs[b], gsems[b]).wait()
                pltpu.sync_copy(bufs[b], sums_sh.at[dst_v.at[jj]], add=True)
                _maybe_cnt(jj)

                @pl.when(jj + KBUF < NCHUNK)
                def _():
                    pltpu.async_copy(x2_hbm.at[cid].at[src_v.at[jj + KBUF]],
                                     bufs[b], gsems[b])

        if with_cnt:
            @pl.loop(cnt_lo, cnt_hi)
            def _drain_cnt(j):
                pltpu.make_async_copy(ones_v, cnt_sh.at[dst_v.at[j]],
                                      csem).wait()
        plsc.subcore_barrier()
        pltpu.sync_copy(sums_sh.at[pl.ds(sid * STRIPE, STRIPE)],
                        sums_out.at[cid, pl.ds(sid * STRIPE, STRIPE)])
        if with_cnt:
            pltpu.sync_copy(cnt_sh.at[pl.ds(sid * STRIPE, STRIPE)],
                            cnt_out.at[cid, pl.ds(sid * STRIPE, STRIPE)])

    return pl.kernel(body, out_type=out_type, mesh=mesh, scratch_types=scratch,
                     compiler_params=pltpu.CompilerParams(use_tc_tiling_on_sc=False),
                     name="sc_agg_cnt" if with_cnt else "sc_agg")


_sc_agg_cnt_kernel = _sc_agg(True)
_sc_agg_kernel = _sc_agg(False)


def _tc_layer(relu, split_out):
    TR = 1024 if split_out else 1000

    def body(sums_ref, cnt_ref, x_ref, wl_ref, wr_ref, b_ref, o_ref):
        c = cnt_ref[0] + cnt_ref[1]
        s = jnp.concatenate([sums_ref[0], sums_ref[1]], axis=1)
        mean = s * (1.0 / jnp.maximum(c, 1.0))
        xcat = jnp.concatenate([x_ref[0], x_ref[1]], axis=1)
        acc = jnp.dot(mean, wl_ref[...], preferred_element_type=jnp.float32)
        acc = acc + jnp.dot(xcat, wr_ref[...],
                            preferred_element_type=jnp.float32)
        acc = acc + b_ref[...]
        if relu:
            acc = jnp.maximum(acc, 0.0)
        if split_out:
            o_ref[0] = acc[:, :DH]
            o_ref[1] = acc[:, DH:]
        else:
            o_ref[...] = acc[:, :OUT]

    if split_out:
        out_specs = pl.BlockSpec((NC, TR, DH), lambda i: (0, i, 0))
        out_shape = jax.ShapeDtypeStruct((NC, NP, DH), jnp.float32)
    else:
        out_specs = pl.BlockSpec((TR, OUT), lambda i: (i, 0))
        out_shape = jax.ShapeDtypeStruct((N, OUT), jnp.float32)
    return pl.pallas_call(
        body,
        grid=((NP // TR) if split_out else (N // TR),),
        in_specs=[
            pl.BlockSpec((NC, TR, DH), lambda i: (0, i, 0)),
            pl.BlockSpec((NC, TR, 1), lambda i: (0, i, 0)),
            pl.BlockSpec((NC, TR, DH), lambda i: (0, i, 0)),
            pl.BlockSpec((D, D), lambda i: (0, 0)),
            pl.BlockSpec((D, D), lambda i: (0, 0)),
            pl.BlockSpec((1, D), lambda i: (0, 0)),
        ],
        out_specs=out_specs,
        out_shape=out_shape,
        name="tc_layer_relu" if relu else "tc_layer",
    )


_tc_layer_relu = _tc_layer(True, True)
_tc_layer_lin = _tc_layer(False, False)


def kernel(x, edge_index, W1l, b1l, W1r, b1r, W2l, b2l, W2r, b2r):
    src = edge_index[0]
    dst = edge_index[1]
    pad = EPAD - E
    srcs = jnp.concatenate([src, jnp.zeros((pad,), jnp.int32)]).reshape(NS, NCHUNK, CH)
    dsts = jnp.concatenate([dst, jnp.full((pad,), N, jnp.int32)]).reshape(NS, NCHUNK, CH)
    edges = jnp.stack([srcs, dsts], axis=1)

    xp = jnp.zeros((NP, D), jnp.float32).at[:N].set(x)
    x2 = jnp.stack([xp[:, :DH], xp[:, DH:]])
    w1l_t = W1l.T
    w1r_t = W1r.T
    b1 = (b1l + b1r).reshape(1, D)
    w2l_t = jnp.zeros((D, D), jnp.float32).at[:, :OUT].set(W2l.T)
    w2r_t = jnp.zeros((D, D), jnp.float32).at[:, :OUT].set(W2r.T)
    b2 = jnp.zeros((1, D), jnp.float32).at[0, :OUT].set(b2l + b2r)

    sums1, cnt = _sc_agg_cnt_kernel(x2, edges)
    cnt3 = cnt.reshape(NC, NP, 1)
    h2 = _tc_layer_relu(sums1, cnt3, x2, w1l_t, w1r_t, b1)
    (sums2,) = _sc_agg_kernel(h2, edges)
    return _tc_layer_lin(sums2, cnt3, h2, w2l_t, w2r_t, b2)

# --- scband reference (transcript-rebuilt; emitter-appended) ---
"""Pipeline reference for scband-graph-sage-77154792506118 (READ-ONLY COPY).

The authoritative reference and input builder live on the scoring server;
editing this copy changes nothing except your own understanding.
"""

import jax, jax.numpy as jnp
import numpy as np

N = 10000
E = 320000
D = 128
H = 128
OUT = 121


def _xavier(key, shape):
    fan_out, fan_in = shape
    a = float(np.sqrt(6.0 / (fan_in + fan_out)))
    return jax.random.uniform(key, shape, dtype=jnp.float32, minval=-a, maxval=a)


def setup_inputs(seed: int = 0) -> dict:
    key = jax.random.key(seed)
    ks = jax.random.split(key, 8)
    x = jax.random.normal(ks[0], (N, D), dtype=jnp.float32)
    edge_index = jax.random.randint(ks[1], (2, E), 0, N, dtype=jnp.int32)
    W1l = _xavier(ks[2], (H, D))
    b1l = jnp.zeros((H,), dtype=jnp.float32)
    W1r = _xavier(ks[3], (H, D))
    b1r = jnp.zeros((H,), dtype=jnp.float32)
    W2l = _xavier(ks[4], (OUT, H))
    b2l = jnp.zeros((OUT,), dtype=jnp.float32)
    W2r = _xavier(ks[5], (OUT, H))
    b2r = jnp.zeros((OUT,), dtype=jnp.float32)
    return {"x": x, "edge_index": edge_index,
            "W1l": W1l, "b1l": b1l, "W1r": W1r, "b1r": b1r,
            "W2l": W2l, "b2l": b2l, "W2r": W2r, "b2r": b2r}


def _sage_conv(x, edge_index, Wl, bl, Wr, br):
    # PyG SAGEConv with aggr='mean': out = lin_l(mean_j x_j) + lin_r(x_i)
    src = edge_index[0]
    dst = edge_index[1]
    msg = jnp.take(x, src, axis=0)  # gather (SparseCore-friendly)
    summed = jax.ops.segment_sum(msg, dst, num_segments=N)  # scatter-add
    cnt = jax.ops.segment_sum(jnp.ones((msg.shape[0],), dtype=x.dtype), dst, num_segments=N)
    mean = summed / jnp.clip(cnt, 1.0)[:, None]
    return mean @ Wl.T + bl + x @ Wr.T + br


def reference(x, edge_index, W1l, b1l, W1r, b1r, W2l, b2l, W2r, b2r):
    h = _sage_conv(x, edge_index, W1l, b1l, W1r, b1r)
    h = jax.nn.relu(h)
    # dropout is identity in eval mode (deterministic reference)
    out = _sage_conv(h, edge_index, W2l, b2l, W2r, b2r)
    return out

if __name__ == "__main__":
    import jax
    _d = setup_inputs()
    print(jax.jit(kernel)(*tuple(_d.values())))

</pallas_src>

<mosaic_0001>
#map = affine_map<(d0, d1) -> (0, 0, 0)>
#map1 = affine_map<(d0, d1) -> (0, 0, 0, 0)>
module attributes {stable_mosaic.version = 14 : i64} {
  func.func @sc_agg(%arg0: i32, %arg1: i32, %arg2: memref<2x10240x64xf32, #tpu.memory_space<hbm>>, %arg3: memref<16x2x158x128xi32, #tpu.memory_space<hbm>>, %arg4: memref<2x10240x64xf32, #tpu.memory_space<hbm>>, %arg5: memref<2x158x128xi32, #tpu.memory_space<vmem>>, %arg6: memref<128x64xf32, #tpu.memory_space<vmem>>, %arg7: memref<128x64xf32, #tpu.memory_space<vmem>>, %arg8: memref<128x64xf32, #tpu.memory_space<vmem>>, %arg9: memref<10240x64xf32, #tpu.memory_space<vmem_shared>>, %arg10: memref<!tpu.dma_semaphore, #tpu.memory_space<semaphore_mem>>, %arg11: memref<!tpu.dma_semaphore, #tpu.memory_space<semaphore_mem>>) attributes {dimension_semantics = [#tpu.dimension_semantics<core_parallel>, #tpu.dimension_semantics<subcore_parallel>], iteration_bounds = array<i64: 2, 16>, scalar_prefetch = 0 : i64, scratch_operands = 7 : i64, tpu.core_type = #tpu.core_type<sc_vector_subcore>, window_params = [{transform_indices = #map}, {transform_indices = #map1}, {transform_indices = #map}]} {
    "tpu.region"() ({
      %run_scoped3A = tpu.sem_alloc : memref<!tpu.dma_semaphore, #tpu.memory_space<semaphore_mem>>
      %dma_start3A_69 = arith.constant 0 : i32
      %dma_start3A_70 = arith.constant 0 : i32
      %dma_start3A_71 = arith.constant 0 : i32
      %dma_start3A_72 = tpu.memref_slice %arg3[%arg1, %dma_start3A_69, %dma_start3A_70, %dma_start3A_71] : memref<16x2x158x128xi32, #tpu.memory_space<hbm>> -> memref<1x2x158x128xi32, #tpu.memory_space<hbm>>
      %dma_start3A_73 = tpu.memref_squeeze %dma_start3A_72 : memref<1x2x158x128xi32, #tpu.memory_space<hbm>> -> memref<2x158x128xi32, #tpu.memory_space<hbm>>
      %dma_start3A_74 = arith.constant 0 : i32
      %dma_start3A_75 = arith.constant 0 : i32
      %dma_start3A_76 = arith.constant 0 : i32
      %dma_start3A_77 = tpu.memref_slice %arg3[%arg1, %dma_start3A_74, %dma_start3A_75, %dma_start3A_76] : memref<16x2x158x128xi32, #tpu.memory_space<hbm>> -> memref<1x2x158x128xi32, #tpu.memory_space<hbm>>
      %dma_start3A_78 = tpu.memref_squeeze %dma_start3A_77 : memref<1x2x158x128xi32, #tpu.memory_space<hbm>> -> memref<2x158x128xi32, #tpu.memory_space<hbm>>
      tpu.enqueue_dma source(%dma_start3A_78 : memref<2x158x128xi32, #tpu.memory_space<hbm>>) target(%arg5 : memref<2x158x128xi32, #tpu.memory_space<vmem>>) target_semaphore(%run_scoped3A : memref<!tpu.dma_semaphore, #tpu.memory_space<semaphore_mem>>)
      %dma_wait3A = arith.constant 0 : i32
      %dma_wait3A_79 = arith.constant 0 : i32
      %dma_wait3A_80 = arith.constant 0 : i32
      %dma_wait3A_81 = tpu.memref_slice %arg3[%arg1, %dma_wait3A, %dma_wait3A_79, %dma_wait3A_80] : memref<16x2x158x128xi32, #tpu.memory_space<hbm>> -> memref<1x2x158x128xi32, #tpu.memory_space<hbm>>
      %dma_wait3A_82 = tpu.memref_squeeze %dma_wait3A_81 : memref<1x2x158x128xi32, #tpu.memory_space<hbm>> -> memref<2x158x128xi32, #tpu.memory_space<hbm>>
      %dma_wait3A_83 = arith.constant 0 : i32
      %dma_wait3A_84 = arith.constant 0 : i32
      %dma_wait3A_85 = arith.constant 0 : i32
      %dma_wait3A_86 = tpu.memref_slice %arg3[%arg1, %dma_wait3A_83, %dma_wait3A_84, %dma_wait3A_85] : memref<16x2x158x128xi32, #tpu.memory_space<hbm>> -> memref<1x2x158x128xi32, #tpu.memory_space<hbm>>
      %dma_wait3A_87 = tpu.memref_squeeze %dma_wait3A_86 : memref<1x2x158x128xi32, #tpu.memory_space<hbm>> -> memref<2x158x128xi32, #tpu.memory_space<hbm>>
      tpu.wait_dma2 semaphore(%run_scoped3A : memref<!tpu.dma_semaphore, #tpu.memory_space<semaphore_mem>>) src(%dma_wait3A_87 : memref<2x158x128xi32, #tpu.memory_space<hbm>>) dst(%arg5 : memref<2x158x128xi32, #tpu.memory_space<vmem>>)
      tpu.yield
    }) : () -> ()
    %scan3A = arith.constant 0 : i32
    %scan3A_0 = arith.constant 128 : i32
    %scan3A_1 = arith.addi %scan3A, %scan3A_0 : i32
    %scan3A_2 = arith.constant 1 : i32
    scf.for %scan3A_69 = %scan3A to %scan3A_1 step %scan3A_2  : i32 {
      %mul3A_70 = arith.constant 1 : i32
      %mul3A_71 = arith.muli %scan3A_69, %mul3A_70 : i32
      %add3A_72 = arith.constant 0 : i32
      %add3A_73 = arith.addi %add3A_72, %mul3A_71 : i32
      %broadcast_in_dim3A = arith.constant 0.000000e+00 : f32
      %broadcast_in_dim3A_74 = vector.broadcast %broadcast_in_dim3A : f32 to vector<16xf32>
      %swap3A = arith.index_cast %add3A_73 : i32 to index
      %swap3A_75 = arith.constant 0 : index
      %swap3A_76 = tpu.vector_load %arg8[%swap3A, %swap3A_75] {strides = array<i32>} : memref<128x64xf32, #tpu.memory_space<vmem>>, vector<1x16xf32>,
      %swap3A_77 = vector.shape_cast %swap3A_76 : vector<1x16xf32> to vector<16xf32>
      %swap3A_78 = vector.shape_cast %broadcast_in_dim3A_74 : vector<16xf32> to vector<1x16xf32>
      tpu.vector_store %arg8[%swap3A, %swap3A_75], %swap3A_78 {strides = array<i32>} : memref<128x64xf32, #tpu.memory_space<vmem>>, vector<1x16xf32>,
      %broadcast_in_dim3A_79 = arith.constant 0.000000e+00 : f32
      %broadcast_in_dim3A_80 = vector.broadcast %broadcast_in_dim3A_79 : f32 to vector<16xf32>
      %swap3A_81 = arith.index_cast %add3A_73 : i32 to index
      %swap3A_82 = arith.constant 16 : index
      %swap3A_83 = tpu.vector_load %arg8[%swap3A_81, %swap3A_82] {strides = array<i32>} : memref<128x64xf32, #tpu.memory_space<vmem>>, vector<1x16xf32>,
      %swap3A_84 = vector.shape_cast %swap3A_83 : vector<1x16xf32> to vector<16xf32>
      %swap3A_85 = vector.shape_cast %broadcast_in_dim3A_80 : vector<16xf32> to vector<1x16xf32>
      tpu.vector_store %arg8[%swap3A_81, %swap3A_82], %swap3A_85 {strides = array<i32>} : memref<128x64xf32, #tpu.memory_space<vmem>>, vector<1x16xf32>,
      %broadcast_in_dim3A_86 = arith.constant 0.000000e+00 : f32
      %broadcast_in_dim3A_87 = vector.broadcast %broadcast_in_dim3A_86 : f32 to vector<16xf32>
      %swap3A_88 = arith.index_cast %add3A_73 : i32 to index
      %swap3A_89 = arith.constant 32 : index
      %swap3A_90 = tpu.vector_load %arg8[%swap3A_88, %swap3A_89] {strides = array<i32>} : memref<128x64xf32, #tpu.memory_space<vmem>>, vector<1x16xf32>,
      %swap3A_91 = vector.shape_cast %swap3A_90 : vector<1x16xf32> to vector<16xf32>
      %swap3A_92 = vector.shape_cast %broadcast_in_dim3A_87 : vector<16xf32> to vector<1x16xf32>
      tpu.vector_store %arg8[%swap3A_88, %swap3A_89], %swap3A_92 {strides = array<i32>} : memref<128x64xf32, #tpu.memory_space<vmem>>, vector<1x16xf32>,
      %broadcast_in_dim3A_93 = arith.constant 0.000000e+00 : f32
      %broadcast_in_dim3A_94 = vector.broadcast %broadcast_in_dim3A_93 : f32 to vector<16xf32>
      %swap3A_95 = arith.index_cast %add3A_73 : i32 to index
      %swap3A_96 = arith.constant 48 : index
      %swap3A_97 = tpu.vector_load %arg8[%swap3A_95, %swap3A_96] {strides = array<i32>} : memref<128x64xf32, #tpu.memory_space<vmem>>, vector<1x16xf32>,
      %swap3A_98 = vector.shape_cast %swap3A_97 : vector<1x16xf32> to vector<16xf32>
      %swap3A_99 = vector.shape_cast %broadcast_in_dim3A_94 : vector<16xf32> to vector<1x16xf32>
      tpu.vector_store %arg8[%swap3A_95, %swap3A_96], %swap3A_99 {strides = array<i32>} : memref<128x64xf32, #tpu.memory_space<vmem>>, vector<1x16xf32>,
    }
    %scan3A_3 = arith.constant 128 : i32
    %mul3A = arith.constant 640 : i32
    %mul3A_4 = arith.muli %arg1, %mul3A : i32
    %add3A = arith.constant 0 : i32
    %add3A_5 = arith.addi %mul3A_4, %add3A : i32
    "tpu.region"() ({
      %run_scoped3A = tpu.sem_alloc : memref<!tpu.dma_semaphore, #tpu.memory_space<semaphore_mem>>
      %dma_start3A_69 = arith.constant 0 : i32
      %dma_start3A_70 = tpu.memref_slice %arg9[%add3A_5, %dma_start3A_69] : memref<10240x64xf32, #tpu.memory_space<vmem_shared>> -> memref<128x64xf32, #tpu.memory_space<vmem_shared>>
      %dma_start3A_71 = arith.constant 0 : i32
      %dma_start3A_72 = tpu.memref_slice %arg9[%add3A_5, %dma_start3A_71] : memref<10240x64xf32, #tpu.memory_space<vmem_shared>> -> memref<128x64xf32, #tpu.memory_space<vmem_shared>>
      tpu.enqueue_dma source(%arg8 : memref<128x64xf32, #tpu.memory_space<vmem>>) target(%dma_start3A_72 : memref<128x64xf32, #tpu.memory_space<vmem_shared>>) target_semaphore(%run_scoped3A : memref<!tpu.dma_semaphore, #tpu.memory_space<semaphore_mem>>)
      %dma_wait3A = arith.constant 0 : i32
      %dma_wait3A_73 = tpu.memref_slice %arg9[%add3A_5, %dma_wait3A] : memref<10240x64xf32, #tpu.memory_space<vmem_shared>> -> memref<128x64xf32, #tpu.memory_space<vmem_shared>>
      %dma_wait3A_74 = arith.constant 0 : i32
      %dma_wait3A_75 = tpu.memref_slice %arg9[%add3A_5, %dma_wait3A_74] : memref<10240x64xf32, #tpu.memory_space<vmem_shared>> -> memref<128x64xf32, #tpu.memory_space<vmem_shared>>
      tpu.wait_dma2 semaphore(%run_scoped3A : memref<!tpu.dma_semaphore, #tpu.memory_space<semaphore_mem>>) src(%arg8 : memref<128x64xf32, #tpu.memory_space<vmem>>) dst(%dma_wait3A_75 : memref<128x64xf32, #tpu.memory_space<vmem_shared>>)
      tpu.yield
    }) : () -> ()
    %mul3A_6 = arith.constant 640 : i32
    %mul3A_7 = arith.muli %arg1, %mul3A_6 : i32
    %add3A_8 = arith.constant 128 : i32
    %add3A_9 = arith.addi %mul3A_7, %add3A_8 : i32
    "tpu.region"() ({
      %run_scoped3A = tpu.sem_alloc : memref<!tpu.dma_semaphore, #tpu.memory_space<semaphore_mem>>
      %dma_start3A_69 = arith.constant 0 : i32
      %dma_start3A_70 = tpu.memref_slice %arg9[%add3A_9, %dma_start3A_69] : memref<10240x64xf32, #tpu.memory_space<vmem_shared>> -> memref<128x64xf32, #tpu.memory_space<vmem_shared>>
      %dma_start3A_71 = arith.constant 0 : i32
      %dma_start3A_72 = tpu.memref_slice %arg9[%add3A_9, %dma_start3A_71] : memref<10240x64xf32, #tpu.memory_space<vmem_shared>> -> memref<128x64xf32, #tpu.memory_space<vmem_shared>>
      tpu.enqueue_dma source(%arg8 : memref<128x64xf32, #tpu.memory_space<vmem>>) target(%dma_start3A_72 : memref<128x64xf32, #tpu.memory_space<vmem_shared>>) target_semaphore(%run_scoped3A : memref<!tpu.dma_semaphore, #tpu.memory_space<semaphore_mem>>)
      %dma_wait3A = arith.constant 0 : i32
      %dma_wait3A_73 = tpu.memref_slice %arg9[%add3A_9, %dma_wait3A] : memref<10240x64xf32, #tpu.memory_space<vmem_shared>> -> memref<128x64xf32, #tpu.memory_space<vmem_shared>>
      %dma_wait3A_74 = arith.constant 0 : i32
      %dma_wait3A_75 = tpu.memref_slice %arg9[%add3A_9, %dma_wait3A_74] : memref<10240x64xf32, #tpu.memory_space<vmem_shared>> -> memref<128x64xf32, #tpu.memory_space<vmem_shared>>
      tpu.wait_dma2 semaphore(%run_scoped3A : memref<!tpu.dma_semaphore, #tpu.memory_space<semaphore_mem>>) src(%arg8 : memref<128x64xf32, #tpu.memory_space<vmem>>) dst(%dma_wait3A_75 : memref<128x64xf32, #tpu.memory_space<vmem_shared>>)
      tpu.yield
    }) : () -> ()
    %mul3A_10 = arith.constant 640 : i32
    %mul3A_11 = arith.muli %arg1, %mul3A_10 : i32
    %add3A_12 = arith.constant 256 : i32
    %add3A_13 = arith.addi %mul3A_11, %add3A_12 : i32
    "tpu.region"() ({
      %run_scoped3A = tpu.sem_alloc : memref<!tpu.dma_semaphore, #tpu.memory_space<semaphore_mem>>
      %dma_start3A_69 = arith.constant 0 : i32
      %dma_start3A_70 = tpu.memref_slice %arg9[%add3A_13, %dma_start3A_69] : memref<10240x64xf32, #tpu.memory_space<vmem_shared>> -> memref<128x64xf32, #tpu.memory_space<vmem_shared>>
      %dma_start3A_71 = arith.constant 0 : i32
      %dma_start3A_72 = tpu.memref_slice %arg9[%add3A_13, %dma_start3A_71] : memref<10240x64xf32, #tpu.memory_space<vmem_shared>> -> memref<128x64xf32, #tpu.memory_space<vmem_shared>>
      tpu.enqueue_dma source(%arg8 : memref<128x64xf32, #tpu.memory_space<vmem>>) target(%dma_start3A_72 : memref<128x64xf32, #tpu.memory_space<vmem_shared>>) target_semaphore(%run_scoped3A : memref<!tpu.dma_semaphore, #tpu.memory_space<semaphore_mem>>)
      %dma_wait3A = arith.constant 0 : i32
      %dma_wait3A_73 = tpu.memref_slice %arg9[%add3A_13, %dma_wait3A] : memref<10240x64xf32, #tpu.memory_space<vmem_shared>> -> memref<128x64xf32, #tpu.memory_space<vmem_shared>>
      %dma_wait3A_74 = arith.constant 0 : i32
      %dma_wait3A_75 = tpu.memref_slice %arg9[%add3A_13, %dma_wait3A_74] : memref<10240x64xf32, #tpu.memory_space<vmem_shared>> -> memref<128x64xf32, #tpu.memory_space<vmem_shared>>
      tpu.wait_dma2 semaphore(%run_scoped3A : memref<!tpu.dma_semaphore, #tpu.memory_space<semaphore_mem>>) src(%arg8 : memref<128x64xf32, #tpu.memory_space<vmem>>) dst(%dma_wait3A_75 : memref<128x64xf32, #tpu.memory_space<vmem_shared>>)
      tpu.yield
    }) : () -> ()
    %mul3A_14 = arith.constant 640 : i32
    %mul3A_15 = arith.muli %arg1, %mul3A_14 : i32
    %add3A_16 = arith.constant 384 : i32
    %add3A_17 = arith.addi %mul3A_15, %add3A_16 : i32
    "tpu.region"() ({
      %run_scoped3A = tpu.sem_alloc : memref<!tpu.dma_semaphore, #tpu.memory_space<semaphore_mem>>
      %dma_start3A_69 = arith.constant 0 : i32
      %dma_start3A_70 = tpu.memref_slice %arg9[%add3A_17, %dma_start3A_69] : memref<10240x64xf32, #tpu.memory_space<vmem_shared>> -> memref<128x64xf32, #tpu.memory_space<vmem_shared>>
      %dma_start3A_71 = arith.constant 0 : i32
      %dma_start3A_72 = tpu.memref_slice %arg9[%add3A_17, %dma_start3A_71] : memref<10240x64xf32, #tpu.memory_space<vmem_shared>> -> memref<128x64xf32, #tpu.memory_space<vmem_shared>>
      tpu.enqueue_dma source(%arg8 : memref<128x64xf32, #tpu.memory_space<vmem>>) target(%dma_start3A_72 : memref<128x64xf32, #tpu.memory_space<vmem_shared>>) target_semaphore(%run_scoped3A : memref<!tpu.dma_semaphore, #tpu.memory_space<semaphore_mem>>)
      %dma_wait3A = arith.constant 0 : i32
      %dma_wait3A_73 = tpu.memref_slice %arg9[%add3A_17, %dma_wait3A] : memref<10240x64xf32, #tpu.memory_space<vmem_shared>> -> memref<128x64xf32, #tpu.memory_space<vmem_shared>>
      %dma_wait3A_74 = arith.constant 0 : i32
      %dma_wait3A_75 = tpu.memref_slice %arg9[%add3A_17, %dma_wait3A_74] : memref<10240x64xf32, #tpu.memory_space<vmem_shared>> -> memref<128x64xf32, #tpu.memory_space<vmem_shared>>
      tpu.wait_dma2 semaphore(%run_scoped3A : memref<!tpu.dma_semaphore, #tpu.memory_space<semaphore_mem>>) src(%arg8 : memref<128x64xf32, #tpu.memory_space<vmem>>) dst(%dma_wait3A_75 : memref<128x64xf32, #tpu.memory_space<vmem_shared>>)
      tpu.yield
    }) : () -> ()
    %mul3A_18 = arith.constant 640 : i32
    %mul3A_19 = arith.muli %arg1, %mul3A_18 : i32
    %add3A_20 = arith.constant 512 : i32
    %add3A_21 = arith.addi %mul3A_19, %add3A_20 : i32
    "tpu.region"() ({
      %run_scoped3A = tpu.sem_alloc : memref<!tpu.dma_semaphore, #tpu.memory_space<semaphore_mem>>
      %dma_start3A_69 = arith.constant 0 : i32
      %dma_start3A_70 = tpu.memref_slice %arg9[%add3A_21, %dma_start3A_69] : memref<10240x64xf32, #tpu.memory_space<vmem_shared>> -> memref<128x64xf32, #tpu.memory_space<vmem_shared>>
      %dma_start3A_71 = arith.constant 0 : i32
      %dma_start3A_72 = tpu.memref_slice %arg9[%add3A_21, %dma_start3A_71] : memref<10240x64xf32, #tpu.memory_space<vmem_shared>> -> memref<128x64xf32, #tpu.memory_space<vmem_shared>>
      tpu.enqueue_dma source(%arg8 : memref<128x64xf32, #tpu.memory_space<vmem>>) target(%dma_start3A_72 : memref<128x64xf32, #tpu.memory_space<vmem_shared>>) target_semaphore(%run_scoped3A : memref<!tpu.dma_semaphore, #tpu.memory_space<semaphore_mem>>)
      %dma_wait3A = arith.constant 0 : i32
      %dma_wait3A_73 = tpu.memref_slice %arg9[%add3A_21, %dma_wait3A] : memref<10240x64xf32, #tpu.memory_space<vmem_shared>> -> memref<128x64xf32, #tpu.memory_space<vmem_shared>>
      %dma_wait3A_74 = arith.constant 0 : i32
      %dma_wait3A_75 = tpu.memref_slice %arg9[%add3A_21, %dma_wait3A_74] : memref<10240x64xf32, #tpu.memory_space<vmem_shared>> -> memref<128x64xf32, #tpu.memory_space<vmem_shared>>
      tpu.wait_dma2 semaphore(%run_scoped3A : memref<!tpu.dma_semaphore, #tpu.memory_space<semaphore_mem>>) src(%arg8 : memref<128x64xf32, #tpu.memory_space<vmem>>) dst(%dma_wait3A_75 : memref<128x64xf32, #tpu.memory_space<vmem_shared>>)
      tpu.yield
    }) : () -> ()
    %barrier3A = arith.constant 0 : index
    tpu.barrier barrier_id(%barrier3A)
    %mul3A_22 = arith.constant 79 : i32
    %mul3A_23 = arith.muli %arg0, %mul3A_22 : i32
    %add3A_24 = arith.constant 79 : i32
    %add3A_25 = arith.addi %mul3A_23, %add3A_24 : i32
    %dma_start3A = arith.constant 0 : i32
    %dma_start3A_26 = arith.constant 0 : i32
    %dma_start3A_27 = arith.constant 0 : i32
    %dma_start3A_28 = arith.constant 0 : i32
    %dma_start3A_29 = tpu.memref_slice %arg5[%dma_start3A, %dma_start3A_27, %dma_start3A_28] : memref<2x158x128xi32, #tpu.memory_space<vmem>> -> memref<1x158x128xi32, #tpu.memory_space<vmem>>
    %dma_start3A_30 = tpu.memref_squeeze %dma_start3A_29 : memref<1x158x128xi32, #tpu.memory_space<vmem>> -> memref<158x128xi32, #tpu.memory_space<vmem>>
    %dma_start3A_31 = arith.constant 0 : i32
    %dma_start3A_32 = tpu.memref_slice %dma_start3A_30[%dma_start3A_26, %dma_start3A_31] : memref<158x128xi32, #tpu.memory_space<vmem>> -> memref<1x128xi32, #tpu.memory_space<vmem>>
    %dma_start3A_33 = tpu.memref_squeeze %dma_start3A_32 : memref<1x128xi32, #tpu.memory_space<vmem>> -> memref<128xi32, #tpu.memory_space<vmem>>
    %dma_start3A_34 = arith.constant 0 : i32
    %dma_start3A_35 = arith.constant 0 : i32
    %dma_start3A_36 = tpu.memref_slice %arg2[%arg0, %dma_start3A_34, %dma_start3A_35] : memref<2x10240x64xf32, #tpu.memory_space<hbm>> -> memref<1x10240x64xf32, #tpu.memory_space<hbm>>
    %dma_start3A_37 = tpu.memref_squeeze %dma_start3A_36 : memref<1x10240x64xf32, #tpu.memory_space<hbm>> -> memref<10240x64xf32, #tpu.memory_space<hbm>>
    %dma_start3A_38 = arith.constant 0 : i32
    %dma_start3A_39 = arith.constant 0 : i32
    %dma_start3A_40 = tpu.memref_slice %dma_start3A_37[%dma_start3A_38, %dma_start3A_39] : memref<10240x64xf32, #tpu.memory_space<hbm>> -> memref<10240x64xf32, #tpu.memory_space<hbm>>
    tpu.enqueue_indirect_dma source(%dma_start3A_40 : memref<10240x64xf32, #tpu.memory_space<hbm>>) target(%arg6 : memref<128x64xf32, #tpu.memory_space<vmem>>) offsets(%dma_start3A_33 : memref<128xi32, #tpu.memory_space<vmem>>) semaphore(%arg10 : memref<!tpu.dma_semaphore, #tpu.memory_space<semaphore_mem>>)
    %dma_start3A_41 = arith.constant 0 : i32
    %dma_start3A_42 = arith.constant 1 : i32
    %dma_start3A_43 = arith.constant 0 : i32
    %dma_start3A_44 = arith.constant 0 : i32
    %dma_start3A_45 = tpu.memref_slice %arg5[%dma_start3A_41, %dma_start3A_43, %dma_start3A_44] : memref<2x158x128xi32, #tpu.memory_space<vmem>> -> memref<1x158x128xi32, #tpu.memory_space<vmem>>
    %dma_start3A_46 = tpu.memref_squeeze %dma_start3A_45 : memref<1x158x128xi32, #tpu.memory_space<vmem>> -> memref<158x128xi32, #tpu.memory_space<vmem>>
    %dma_start3A_47 = arith.constant 0 : i32
    %dma_start3A_48 = tpu.memref_slice %dma_start3A_46[%dma_start3A_42, %dma_start3A_47] : memref<158x128xi32, #tpu.memory_space<vmem>> -> memref<1x128xi32, #tpu.memory_space<vmem>>
    %dma_start3A_49 = tpu.memref_squeeze %dma_start3A_48 : memref<1x128xi32, #tpu.memory_space<vmem>> -> memref<128xi32, #tpu.memory_space<vmem>>
    %dma_start3A_50 = arith.constant 0 : i32
    %dma_start3A_51 = arith.constant 0 : i32
    %dma_start3A_52 = tpu.memref_slice %arg2[%arg0, %dma_start3A_50, %dma_start3A_51] : memref<2x10240x64xf32, #tpu.memory_space<hbm>> -> memref<1x10240x64xf32, #tpu.memory_space<hbm>>
    %dma_start3A_53 = tpu.memref_squeeze %dma_start3A_52 : memref<1x10240x64xf32, #tpu.memory_space<hbm>> -> memref<10240x64xf32, #tpu.memory_space<hbm>>
    %dma_start3A_54 = arith.constant 0 : i32
    %dma_start3A_55 = arith.constant 0 : i32
    %dma_start3A_56 = tpu.memref_slice %dma_start3A_53[%dma_start3A_54, %dma_start3A_55] : memref<10240x64xf32, #tpu.memory_space<hbm>> -> memref<10240x64xf32, #tpu.memory_space<hbm>>
    tpu.enqueue_indirect_dma source(%dma_start3A_56 : memref<10240x64xf32, #tpu.memory_space<hbm>>) target(%arg7 : memref<128x64xf32, #tpu.memory_space<vmem>>) offsets(%dma_start3A_49 : memref<128xi32, #tpu.memory_space<vmem>>) semaphore(%arg11 : memref<!tpu.dma_semaphore, #tpu.memory_space<semaphore_mem>>)
    %scan3A_57 = arith.constant 0 : i32
    %scan3A_58 = arith.constant 1 : i32
    %scan3A_59 = arith.constant 0 : i32
    %scan3A_60 = arith.constant 79 : i32
    %scan3A_61 = arith.addi %scan3A_59, %scan3A_60 : i32
    %scan3A_62 = arith.constant 1 : i32
    scf.for %scan3A_69 = %scan3A_59 to %scan3A_61 step %scan3A_62  : i32 {
      %mul3A_70 = arith.constant 2 : i32
      %mul3A_71 = arith.muli %scan3A_69, %mul3A_70 : i32
      %add3A_72 = arith.constant 0 : i32
      %add3A_73 = arith.addi %add3A_72, %mul3A_71 : i32
      %add3A_74 = arith.constant 0 : i32
      %add3A_75 = arith.addi %add3A_73, %add3A_74 : i32
      %dma_wait3A = arith.constant 0 : i32
      %dma_wait3A_76 = arith.constant 0 : i32
      %dma_wait3A_77 = tpu.memref_slice %arg5[%scan3A_57, %dma_wait3A, %dma_wait3A_76] : memref<2x158x128xi32, #tpu.memory_space<vmem>> -> memref<1x158x128xi32, #tpu.memory_space<vmem>>
      %dma_wait3A_78 = tpu.memref_squeeze %dma_wait3A_77 : memref<1x158x128xi32, #tpu.memory_space<vmem>> -> memref<158x128xi32, #tpu.memory_space<vmem>>
      %dma_wait3A_79 = arith.constant 0 : i32
      %dma_wait3A_80 = tpu.memref_slice %dma_wait3A_78[%add3A_75, %dma_wait3A_79] : memref<158x128xi32, #tpu.memory_space<vmem>> -> memref<1x128xi32, #tpu.memory_space<vmem>>
      %dma_wait3A_81 = tpu.memref_squeeze %dma_wait3A_80 : memref<1x128xi32, #tpu.memory_space<vmem>> -> memref<128xi32, #tpu.memory_space<vmem>>
      %dma_wait3A_82 = arith.constant 0 : i32
      %dma_wait3A_83 = arith.constant 0 : i32
      %dma_wait3A_84 = tpu.memref_slice %arg2[%arg0, %dma_wait3A_82, %dma_wait3A_83] : memref<2x10240x64xf32, #tpu.memory_space<hbm>> -> memref<1x10240x64xf32, #tpu.memory_space<hbm>>
      %dma_wait3A_85 = tpu.memref_squeeze %dma_wait3A_84 : memref<1x10240x64xf32, #tpu.memory_space<hbm>> -> memref<10240x64xf32, #tpu.memory_space<hbm>>
      %dma_wait3A_86 = arith.constant 0 : i32
      %dma_wait3A_87 = arith.constant 0 : i32
      %dma_wait3A_88 = tpu.memref_slice %dma_wait3A_85[%dma_wait3A_86, %dma_wait3A_87] : memref<10240x64xf32, #tpu.memory_space<hbm>> -> memref<10240x64xf32, #tpu.memory_space<hbm>>
      tpu.wait_indirect_dma semaphore(%arg10 : memref<!tpu.dma_semaphore, #tpu.memory_space<semaphore_mem>>) src(%dma_wait3A_88 : memref<10240x64xf32, #tpu.memory_space<hbm>>) dst(%arg6 : memref<128x64xf32, #tpu.memory_space<vmem>>)
      "tpu.region"() ({
        %run_scoped3A = tpu.sem_alloc : memref<!tpu.dma_semaphore, #tpu.memory_space<semaphore_mem>>
        %dma_start3A_116 = arith.constant 0 : i32
        %dma_start3A_117 = arith.constant 0 : i32
        %dma_start3A_118 = tpu.memref_slice %arg5[%scan3A_58, %dma_start3A_116, %dma_start3A_117] : memref<2x158x128xi32, #tpu.memory_space<vmem>> -> memref<1x158x128xi32, #tpu.memory_space<vmem>>
        %dma_start3A_119 = tpu.memref_squeeze %dma_start3A_118 : memref<1x158x128xi32, #tpu.memory_space<vmem>> -> memref<158x128xi32, #tpu.memory_space<vmem>>
        %dma_start3A_120 = arith.constant 0 : i32
        %dma_start3A_121 = tpu.memref_slice %dma_start3A_119[%add3A_75, %dma_start3A_120] : memref<158x128xi32, #tpu.memory_space<vmem>> -> memref<1x128xi32, #tpu.memory_space<vmem>>
        %dma_start3A_122 = tpu.memref_squeeze %dma_start3A_121 : memref<1x128xi32, #tpu.memory_space<vmem>> -> memref<128xi32, #tpu.memory_space<vmem>>
        %dma_start3A_123 = arith.constant 0 : i32
        %dma_start3A_124 = arith.constant 0 : i32
        %dma_start3A_125 = tpu.memref_slice %arg9[%dma_start3A_123, %dma_start3A_124] : memref<10240x64xf32, #tpu.memory_space<vmem_shared>> -> memref<10240x64xf32, #tpu.memory_space<vmem_shared>>
        tpu.enqueue_indirect_dma source(%arg6 : memref<128x64xf32, #tpu.memory_space<vmem>>) target(%dma_start3A_125 : memref<10240x64xf32, #tpu.memory_space<vmem_shared>>) offsets(%dma_start3A_122 : memref<128xi32, #tpu.memory_space<vmem>>) semaphore(%run_scoped3A : memref<!tpu.dma_semaphore, #tpu.memory_space<semaphore_mem>>) {add = true}
        %dma_wait3A_126 = arith.constant 0 : i32
        %dma_wait3A_127 = arith.constant 0 : i32
        %dma_wait3A_128 = tpu.memref_slice %arg5[%scan3A_58, %dma_wait3A_126, %dma_wait3A_127] : memref<2x158x128xi32, #tpu.memory_space<vmem>> -> memref<1x158x128xi32, #tpu.memory_space<vmem>>
        %dma_wait3A_129 = tpu.memref_squeeze %dma_wait3A_128 : memref<1x158x128xi32, #tpu.memory_space<vmem>> -> memref<158x128xi32, #tpu.memory_space<vmem>>
        %dma_wait3A_130 = arith.constant 0 : i32
        %dma_wait3A_131 = tpu.memref_slice %dma_wait3A_129[%add3A_75, %dma_wait3A_130] : memref<158x128xi32, #tpu.memory_space<vmem>> -> memref<1x128xi32, #tpu.memory_space<vmem>>
        %dma_wait3A_132 = tpu.memref_squeeze %dma_wait3A_131 : memref<1x128xi32, #tpu.memory_space<vmem>> -> memref<128xi32, #tpu.memory_space<vmem>>
        %dma_wait3A_133 = arith.constant 0 : i32
        %dma_wait3A_134 = arith.constant 0 : i32
        %dma_wait3A_135 = tpu.memref_slice %arg9[%dma_wait3A_133, %dma_wait3A_134] : memref<10240x64xf32, #tpu.memory_space<vmem_shared>> -> memref<10240x64xf32, #tpu.memory_space<vmem_shared>>
        tpu.wait_indirect_dma semaphore(%run_scoped3A : memref<!tpu.dma_semaphore, #tpu.memory_space<semaphore_mem>>) src(%arg6 : memref<128x64xf32, #tpu.memory_space<vmem>>) dst(%dma_wait3A_135 : memref<10240x64xf32, #tpu.memory_space<vmem_shared>>)
        tpu.yield
      }) : () -> ()
      %add3A_89 = arith.constant 2 : i32
      %add3A_90 = arith.addi %add3A_75, %add3A_89 : i32
      %lt3A = arith.constant 158 : i32
      %lt3A_91 = arith.cmpi slt, %add3A_90, %lt3A : i32
      %convert_element_type3A = arith.extui %lt3A_91 : i1 to i32
      %cond3A = arith.constant 0 : i32
      %cond3A_92 = arith.cmpi ne, %convert_element_type3A, %cond3A : i32
      scf.if %cond3A_92 {
        %add3A_116 = arith.constant 2 : i32
        %add3A_117 = arith.addi %add3A_75, %add3A_116 : i32
        %dma_start3A_118 = arith.constant 0 : i32
        %dma_start3A_119 = arith.constant 0 : i32
        %dma_start3A_120 = tpu.memref_slice %arg5[%scan3A_57, %dma_start3A_118, %dma_start3A_119] : memref<2x158x128xi32, #tpu.memory_space<vmem>> -> memref<1x158x128xi32, #tpu.memory_space<vmem>>
        %dma_start3A_121 = tpu.memref_squeeze %dma_start3A_120 : memref<1x158x128xi32, #tpu.memory_space<vmem>> -> memref<158x128xi32, #tpu.memory_space<vmem>>
        %dma_start3A_122 = arith.constant 0 : i32
        %dma_start3A_123 = tpu.memref_slice %dma_start3A_121[%add3A_117, %dma_start3A_122] : memref<158x128xi32, #tpu.memory_space<vmem>> -> memref<1x128xi32, #tpu.memory_space<vmem>>
        %dma_start3A_124 = tpu.memref_squeeze %dma_start3A_123 : memref<1x128xi32, #tpu.memory_space<vmem>> -> memref<128xi32, #tpu.memory_space<vmem>>
        %dma_start3A_125 = arith.constant 0 : i32
        %dma_start3A_126 = arith.constant 0 : i32
        %dma_start3A_127 = tpu.memref_slice %arg2[%arg0, %dma_start3A_125, %dma_start3A_126] : memref<2x10240x64xf32, #tpu.memory_space<hbm>> -> memref<1x10240x64xf32, #tpu.memory_space<hbm>>
        %dma_start3A_128 = tpu.memref_squeeze %dma_start3A_127 : memref<1x10240x64xf32, #tpu.memory_space<hbm>> -> memref<10240x64xf32, #tpu.memory_space<hbm>>
        %dma_start3A_129 = arith.constant 0 : i32
        %dma_start3A_130 = arith.constant 0 : i32
        %dma_start3A_131 = tpu.memref_slice %dma_start3A_128[%dma_start3A_129, %dma_start3A_130] : memref<10240x64xf32, #tpu.memory_space<hbm>> -> memref<10240x64xf32, #tpu.memory_space<hbm>>
        tpu.enqueue_indirect_dma source(%dma_start3A_131 : memref<10240x64xf32, #tpu.memory_space<hbm>>) target(%arg6 : memref<128x64xf32, #tpu.memory_space<vmem>>) offsets(%dma_start3A_124 : memref<128xi32, #tpu.memory_space<vmem>>) semaphore(%arg10 : memref<!tpu.dma_semaphore, #tpu.memory_space<semaphore_mem>>)
      } else {
      }
      %add3A_93 = arith.constant 1 : i32
      %add3A_94 = arith.addi %add3A_73, %add3A_93 : i32
      %dma_wait3A_95 = arith.constant 0 : i32
      %dma_wait3A_96 = arith.constant 0 : i32
      %dma_wait3A_97 = tpu.memref_slice %arg5[%scan3A_57, %dma_wait3A_95, %dma_wait3A_96] : memref<2x158x128xi32, #tpu.memory_space<vmem>> -> memref<1x158x128xi32, #tpu.memory_space<vmem>>
      %dma_wait3A_98 = tpu.memref_squeeze %dma_wait3A_97 : memref<1x158x128xi32, #tpu.memory_space<vmem>> -> memref<158x128xi32, #tpu.memory_space<vmem>>
      %dma_wait3A_99 = arith.constant 0 : i32
      %dma_wait3A_100 = tpu.memref_slice %dma_wait3A_98[%add3A_94, %dma_wait3A_99] : memref<158x128xi32, #tpu.memory_space<vmem>> -> memref<1x128xi32, #tpu.memory_space<vmem>>
      %dma_wait3A_101 = tpu.memref_squeeze %dma_wait3A_100 : memref<1x128xi32, #tpu.memory_space<vmem>> -> memref<128xi32, #tpu.memory_space<vmem>>
      %dma_wait3A_102 = arith.constant 0 : i32
      %dma_wait3A_103 = arith.constant 0 : i32
      %dma_wait3A_104 = tpu.memref_slice %arg2[%arg0, %dma_wait3A_102, %dma_wait3A_103] : memref<2x10240x64xf32, #tpu.memory_space<hbm>> -> memref<1x10240x64xf32, #tpu.memory_space<hbm>>
      %dma_wait3A_105 = tpu.memref_squeeze %dma_wait3A_104 : memref<1x10240x64xf32, #tpu.memory_space<hbm>> -> memref<10240x64xf32, #tpu.memory_space<hbm>>
      %dma_wait3A_106 = arith.constant 0 : i32
      %dma_wait3A_107 = arith.constant 0 : i32
      %dma_wait3A_108 = tpu.memref_slice %dma_wait3A_105[%dma_wait3A_106, %dma_wait3A_107] : memref<10240x64xf32, #tpu.memory_space<hbm>> -> memref<10240x64xf32, #tpu.memory_space<hbm>>
      tpu.wait_indirect_dma semaphore(%arg11 : memref<!tpu.dma_semaphore, #tpu.memory_space<semaphore_mem>>) src(%dma_wait3A_108 : memref<10240x64xf32, #tpu.memory_space<hbm>>) dst(%arg7 : memref<128x64xf32, #tpu.memory_space<vmem>>)
      "tpu.region"() ({
        %run_scoped3A = tpu.sem_alloc : memref<!tpu.dma_semaphore, #tpu.memory_space<semaphore_mem>>
        %dma_start3A_116 = arith.constant 0 : i32
        %dma_start3A_117 = arith.constant 0 : i32
        %dma_start3A_118 = tpu.memref_slice %arg5[%scan3A_58, %dma_start3A_116, %dma_start3A_117] : memref<2x158x128xi32, #tpu.memory_space<vmem>> -> memref<1x158x128xi32, #tpu.memory_space<vmem>>
        %dma_start3A_119 = tpu.memref_squeeze %dma_start3A_118 : memref<1x158x128xi32, #tpu.memory_space<vmem>> -> memref<158x128xi32, #tpu.memory_space<vmem>>
        %dma_start3A_120 = arith.constant 0 : i32
        %dma_start3A_121 = tpu.memref_slice %dma_start3A_119[%add3A_94, %dma_start3A_120] : memref<158x128xi32, #tpu.memory_space<vmem>> -> memref<1x128xi32, #tpu.memory_space<vmem>>
        %dma_start3A_122 = tpu.memref_squeeze %dma_start3A_121 : memref<1x128xi32, #tpu.memory_space<vmem>> -> memref<128xi32, #tpu.memory_space<vmem>>
        %dma_start3A_123 = arith.constant 0 : i32
        %dma_start3A_124 = arith.constant 0 : i32
        %dma_start3A_125 = tpu.memref_slice %arg9[%dma_start3A_123, %dma_start3A_124] : memref<10240x64xf32, #tpu.memory_space<vmem_shared>> -> memref<10240x64xf32, #tpu.memory_space<vmem_shared>>
        tpu.enqueue_indirect_dma source(%arg7 : memref<128x64xf32, #tpu.memory_space<vmem>>) target(%dma_start3A_125 : memref<10240x64xf32, #tpu.memory_space<vmem_shared>>) offsets(%dma_start3A_122 : memref<128xi32, #tpu.memory_space<vmem>>) semaphore(%run_scoped3A : memref<!tpu.dma_semaphore, #tpu.memory_space<semaphore_mem>>) {add = true}
        %dma_wait3A_126 = arith.constant 0 : i32
        %dma_wait3A_127 = arith.constant 0 : i32
        %dma_wait3A_128 = tpu.memref_slice %arg5[%scan3A_58, %dma_wait3A_126, %dma_wait3A_127] : memref<2x158x128xi32, #tpu.memory_space<vmem>> -> memref<1x158x128xi32, #tpu.memory_space<vmem>>
        %dma_wait3A_129 = tpu.memref_squeeze %dma_wait3A_128 : memref<1x158x128xi32, #tpu.memory_space<vmem>> -> memref<158x128xi32, #tpu.memory_space<vmem>>
        %dma_wait3A_130 = arith.constant 0 : i32
        %dma_wait3A_131 = tpu.memref_slice %dma_wait3A_129[%add3A_94, %dma_wait3A_130] : memref<158x128xi32, #tpu.memory_space<vmem>> -> memref<1x128xi32, #tpu.memory_space<vmem>>
        %dma_wait3A_132 = tpu.memref_squeeze %dma_wait3A_131 : memref<1x128xi32, #tpu.memory_space<vmem>> -> memref<128xi32, #tpu.memory_space<vmem>>
        %dma_wait3A_133 = arith.constant 0 : i32
        %dma_wait3A_134 = arith.constant 0 : i32
        %dma_wait3A_135 = tpu.memref_slice %arg9[%dma_wait3A_133, %dma_wait3A_134] : memref<10240x64xf32, #tpu.memory_space<vmem_shared>> -> memref<10240x64xf32, #tpu.memory_space<vmem_shared>>
        tpu.wait_indirect_dma semaphore(%run_scoped3A : memref<!tpu.dma_semaphore, #tpu.memory_space<semaphore_mem>>) src(%arg7 : memref<128x64xf32, #tpu.memory_space<vmem>>) dst(%dma_wait3A_135 : memref<10240x64xf32, #tpu.memory_space<vmem_shared>>)
        tpu.yield
      }) : () -> ()
      %add3A_109 = arith.constant 2 : i32
      %add3A_110 = arith.addi %add3A_94, %add3A_109 : i32
      %lt3A_111 = arith.constant 158 : i32
      %lt3A_112 = arith.cmpi slt, %add3A_110, %lt3A_111 : i32
      %convert_element_type3A_113 = arith.extui %lt3A_112 : i1 to i32
      %cond3A_114 = arith.constant 0 : i32
      %cond3A_115 = arith.cmpi ne, %convert_element_type3A_113, %cond3A_114 : i32
      scf.if %cond3A_115 {
        %add3A_116 = arith.constant 2 : i32
        %add3A_117 = arith.addi %add3A_94, %add3A_116 : i32
        %dma_start3A_118 = arith.constant 0 : i32
        %dma_start3A_119 = arith.constant 0 : i32
        %dma_start3A_120 = tpu.memref_slice %arg5[%scan3A_57, %dma_start3A_118, %dma_start3A_119] : memref<2x158x128xi32, #tpu.memory_space<vmem>> -> memref<1x158x128xi32, #tpu.memory_space<vmem>>
        %dma_start3A_121 = tpu.memref_squeeze %dma_start3A_120 : memref<1x158x128xi32, #tpu.memory_space<vmem>> -> memref<158x128xi32, #tpu.memory_space<vmem>>
        %dma_start3A_122 = arith.constant 0 : i32
        %dma_start3A_123 = tpu.memref_slice %dma_start3A_121[%add3A_117, %dma_start3A_122] : memref<158x128xi32, #tpu.memory_space<vmem>> -> memref<1x128xi32, #tpu.memory_space<vmem>>
        %dma_start3A_124 = tpu.memref_squeeze %dma_start3A_123 : memref<1x128xi32, #tpu.memory_space<vmem>> -> memref<128xi32, #tpu.memory_space<vmem>>
        %dma_start3A_125 = arith.constant 0 : i32
        %dma_start3A_126 = arith.constant 0 : i32
        %dma_start3A_127 = tpu.memref_slice %arg2[%arg0, %dma_start3A_125, %dma_start3A_126] : memref<2x10240x64xf32, #tpu.memory_space<hbm>> -> memref<1x10240x64xf32, #tpu.memory_space<hbm>>
        %dma_start3A_128 = tpu.memref_squeeze %dma_start3A_127 : memref<1x10240x64xf32, #tpu.memory_space<hbm>> -> memref<10240x64xf32, #tpu.memory_space<hbm>>
        %dma_start3A_129 = arith.constant 0 : i32
        %dma_start3A_130 = arith.constant 0 : i32
        %dma_start3A_131 = tpu.memref_slice %dma_start3A_128[%dma_start3A_129, %dma_start3A_130] : memref<10240x64xf32, #tpu.memory_space<hbm>> -> memref<10240x64xf32, #tpu.memory_space<hbm>>
        tpu.enqueue_indirect_dma source(%dma_start3A_131 : memref<10240x64xf32, #tpu.memory_space<hbm>>) target(%arg7 : memref<128x64xf32, #tpu.memory_space<vmem>>) offsets(%dma_start3A_124 : memref<128xi32, #tpu.memory_space<vmem>>) semaphore(%arg11 : memref<!tpu.dma_semaphore, #tpu.memory_space<semaphore_mem>>)
      } else {
      }
    }
    %scan3A_63 = arith.constant 79 : i32
    %barrier3A_64 = arith.constant 0 : index
    tpu.barrier barrier_id(%barrier3A_64)
    %mul3A_65 = arith.constant 640 : i32
    %mul3A_66 = arith.muli %arg1, %mul3A_65 : i32
    %mul3A_67 = arith.constant 640 : i32
    %mul3A_68 = arith.muli %arg1, %mul3A_67 : i32
    "tpu.region"() ({
      %run_scoped3A = tpu.sem_alloc : memref<!tpu.dma_semaphore, #tpu.memory_space<semaphore_mem>>
      %dma_start3A_69 = arith.constant 0 : i32
      %dma_start3A_70 = tpu.memref_slice %arg4[%arg0, %mul3A_68, %dma_start3A_69] : memref<2x10240x64xf32, #tpu.memory_space<hbm>> -> memref<1x640x64xf32, #tpu.memory_space<hbm>>
      %dma_start3A_71 = tpu.memref_squeeze %dma_start3A_70 : memref<1x640x64xf32, #tpu.memory_space<hbm>> -> memref<640x64xf32, #tpu.memory_space<hbm>>
      %dma_start3A_72 = arith.constant 0 : i32
      %dma_start3A_73 = tpu.memref_slice %arg9[%mul3A_66, %dma_start3A_72] : memref<10240x64xf32, #tpu.memory_space<vmem_shared>> -> memref<640x64xf32, #tpu.memory_space<vmem_shared>>
      tpu.enqueue_dma source(%dma_start3A_73 : memref<640x64xf32, #tpu.memory_space<vmem_shared>>) target(%dma_start3A_71 : memref<640x64xf32, #tpu.memory_space<hbm>>) target_semaphore(%run_scoped3A : memref<!tpu.dma_semaphore, #tpu.memory_space<semaphore_mem>>)
      %dma_wait3A = arith.constant 0 : i32
      %dma_wait3A_74 = tpu.memref_slice %arg4[%arg0, %mul3A_68, %dma_wait3A] : memref<2x10240x64xf32, #tpu.memory_space<hbm>> -> memref<1x640x64xf32, #tpu.memory_space<hbm>>
      %dma_wait3A_75 = tpu.memref_squeeze %dma_wait3A_74 : memref<1x640x64xf32, #tpu.memory_space<hbm>> -> memref<640x64xf32, #tpu.memory_space<hbm>>
      %dma_wait3A_76 = arith.constant 0 : i32
      %dma_wait3A_77 = tpu.memref_slice %arg9[%mul3A_66, %dma_wait3A_76] : memref<10240x64xf32, #tpu.memory_space<vmem_shared>> -> memref<640x64xf32, #tpu.memory_space<vmem_shared>>
      tpu.wait_dma2 semaphore(%run_scoped3A : memref<!tpu.dma_semaphore, #tpu.memory_space<semaphore_mem>>) src(%dma_wait3A_77 : memref<640x64xf32, #tpu.memory_space<vmem_shared>>) dst(%dma_wait3A_75 : memref<640x64xf32, #tpu.memory_space<hbm>>)
      tpu.yield
    }) : () -> ()
    return
  }
}

#map = affine_map<(d0, d1) -> (0, 0, 0)>
#map1 = affine_map<(d0, d1) -> (0, 0, 0, 0)>
#map2 = affine_map<(d0, d1) -> (0, 0)>
module attributes {stable_mosaic.version = 14 : i64} {
  func.func @sc_agg_cnt(%arg0: i32, %arg1: i32, %arg2: memref<2x10240x64xf32, #tpu.memory_space<hbm>>, %arg3: memref<16x2x158x128xi32, #tpu.memory_space<hbm>>, %arg4: memref<2x10240x64xf32, #tpu.memory_space<hbm>>, %arg5: memref<2x10240xf32, #tpu.memory_space<hbm>>, %arg6: memref<2x158x128xi32, #tpu.memory_space<vmem>>, %arg7: memref<128x64xf32, #tpu.memory_space<vmem>>, %arg8: memref<128x64xf32, #tpu.memory_space<vmem>>, %arg9: memref<128x64xf32, #tpu.memory_space<vmem>>, %arg10: memref<10240x64xf32, #tpu.memory_space<vmem_shared>>, %arg11: memref<!tpu.dma_semaphore, #tpu.memory_space<semaphore_mem>>, %arg12: memref<!tpu.dma_semaphore, #tpu.memory_space<semaphore_mem>>, %arg13: memref<128xf32, #tpu.memory_space<vmem>>, %arg14: memref<640xf32, #tpu.memory_space<vmem>>, %arg15: memref<10240xf32, #tpu.memory_space<vmem_shared>>, %arg16: memref<!tpu.dma_semaphore, #tpu.memory_space<semaphore_mem>>) attributes {dimension_semantics = [#tpu.dimension_semantics<core_parallel>, #tpu.dimension_semantics<subcore_parallel>], iteration_bounds = array<i64: 2, 16>, scalar_prefetch = 0 : i64, scratch_operands = 11 : i64, tpu.core_type = #tpu.core_type<sc_vector_subcore>, window_params = [{transform_indices = #map}, {transform_indices = #map1}, {transform_indices = #map}, {transform_indices = #map2}]} {
    "tpu.region"() ({
      %run_scoped3A = tpu.sem_alloc : memref<!tpu.dma_semaphore, #tpu.memory_space<semaphore_mem>>
      %dma_start3A_100 = arith.constant 0 : i32
      %dma_start3A_101 = arith.constant 0 : i32
      %dma_start3A_102 = arith.constant 0 : i32
      %dma_start3A_103 = tpu.memref_slice %arg3[%arg1, %dma_start3A_100, %dma_start3A_101, %dma_start3A_102] : memref<16x2x158x128xi32, #tpu.memory_space<hbm>> -> memref<1x2x158x128xi32, #tpu.memory_space<hbm>>
      %dma_start3A_104 = tpu.memref_squeeze %dma_start3A_103 : memref<1x2x158x128xi32, #tpu.memory_space<hbm>> -> memref<2x158x128xi32, #tpu.memory_space<hbm>>
      %dma_start3A_105 = arith.constant 0 : i32
      %dma_start3A_106 = arith.constant 0 : i32
      %dma_start3A_107 = arith.constant 0 : i32
      %dma_start3A_108 = tpu.memref_slice %arg3[%arg1, %dma_start3A_105, %dma_start3A_106, %dma_start3A_107] : memref<16x2x158x128xi32, #tpu.memory_space<hbm>> -> memref<1x2x158x128xi32, #tpu.memory_space<hbm>>
      %dma_start3A_109 = tpu.memref_squeeze %dma_start3A_108 : memref<1x2x158x128xi32, #tpu.memory_space<hbm>> -> memref<2x158x128xi32, #tpu.memory_space<hbm>>
      tpu.enqueue_dma source(%dma_start3A_109 : memref<2x158x128xi32, #tpu.memory_space<hbm>>) target(%arg6 : memref<2x158x128xi32, #tpu.memory_space<vmem>>) target_semaphore(%run_scoped3A : memref<!tpu.dma_semaphore, #tpu.memory_space<semaphore_mem>>)
      %dma_wait3A = arith.constant 0 : i32
      %dma_wait3A_110 = arith.constant 0 : i32
      %dma_wait3A_111 = arith.constant 0 : i32
      %dma_wait3A_112 = tpu.memref_slice %arg3[%arg1, %dma_wait3A, %dma_wait3A_110, %dma_wait3A_111] : memref<16x2x158x128xi32, #tpu.memory_space<hbm>> -> memref<1x2x158x128xi32, #tpu.memory_space<hbm>>
      %dma_wait3A_113 = tpu.memref_squeeze %dma_wait3A_112 : memref<1x2x158x128xi32, #tpu.memory_space<hbm>> -> memref<2x158x128xi32, #tpu.memory_space<hbm>>
      %dma_wait3A_114 = arith.constant 0 : i32
      %dma_wait3A_115 = arith.constant 0 : i32
      %dma_wait3A_116 = arith.constant 0 : i32
      %dma_wait3A_117 = tpu.memref_slice %arg3[%arg1, %dma_wait3A_114, %dma_wait3A_115, %dma_wait3A_116] : memref<16x2x158x128xi32, #tpu.memory_space<hbm>> -> memref<1x2x158x128xi32, #tpu.memory_space<hbm>>
      %dma_wait3A_118 = tpu.memref_squeeze %dma_wait3A_117 : memref<1x2x158x128xi32, #tpu.memory_space<hbm>> -> memref<2x158x128xi32, #tpu.memory_space<hbm>>
      tpu.wait_dma2 semaphore(%run_scoped3A : memref<!tpu.dma_semaphore, #tpu.memory_space<semaphore_mem>>) src(%dma_wait3A_118 : memref<2x158x128xi32, #tpu.memory_space<hbm>>) dst(%arg6 : memref<2x158x128xi32, #tpu.memory_space<vmem>>)
      tpu.yield
    }) : () -> ()
    %scan3A = arith.constant 0 : i32
    %scan3A_0 = arith.constant 128 : i32
    %scan3A_1 = arith.addi %scan3A, %scan3A_0 : i32
    %scan3A_2 = arith.constant 1 : i32
    scf.for %scan3A_100 = %scan3A to %scan3A_1 step %scan3A_2  : i32 {
      %mul3A_101 = arith.constant 1 : i32
      %mul3A_102 = arith.muli %scan3A_100, %mul3A_101 : i32
      %add3A_103 = arith.constant 0 : i32
      %add3A_104 = arith.addi %add3A_103, %mul3A_102 : i32
      %broadcast_in_dim3A = arith.constant 0.000000e+00 : f32
      %broadcast_in_dim3A_105 = vector.broadcast %broadcast_in_dim3A : f32 to vector<16xf32>
      %swap3A = arith.index_cast %add3A_104 : i32 to index
      %swap3A_106 = arith.constant 0 : index
      %swap3A_107 = tpu.vector_load %arg9[%swap3A, %swap3A_106] {strides = array<i32>} : memref<128x64xf32, #tpu.memory_space<vmem>>, vector<1x16xf32>,
      %swap3A_108 = vector.shape_cast %swap3A_107 : vector<1x16xf32> to vector<16xf32>
      %swap3A_109 = vector.shape_cast %broadcast_in_dim3A_105 : vector<16xf32> to vector<1x16xf32>
      tpu.vector_store %arg9[%swap3A, %swap3A_106], %swap3A_109 {strides = array<i32>} : memref<128x64xf32, #tpu.memory_space<vmem>>, vector<1x16xf32>,
      %broadcast_in_dim3A_110 = arith.constant 0.000000e+00 : f32
      %broadcast_in_dim3A_111 = vector.broadcast %broadcast_in_dim3A_110 : f32 to vector<16xf32>
      %swap3A_112 = arith.index_cast %add3A_104 : i32 to index
      %swap3A_113 = arith.constant 16 : index
      %swap3A_114 = tpu.vector_load %arg9[%swap3A_112, %swap3A_113] {strides = array<i32>} : memref<128x64xf32, #tpu.memory_space<vmem>>, vector<1x16xf32>,
      %swap3A_115 = vector.shape_cast %swap3A_114 : vector<1x16xf32> to vector<16xf32>
      %swap3A_116 = vector.shape_cast %broadcast_in_dim3A_111 : vector<16xf32> to vector<1x16xf32>
      tpu.vector_store %arg9[%swap3A_112, %swap3A_113], %swap3A_116 {strides = array<i32>} : memref<128x64xf32, #tpu.memory_space<vmem>>, vector<1x16xf32>,
      %broadcast_in_dim3A_117 = arith.constant 0.000000e+00 : f32
      %broadcast_in_dim3A_118 = vector.broadcast %broadcast_in_dim3A_117 : f32 to vector<16xf32>
      %swap3A_119 = arith.index_cast %add3A_104 : i32 to index
      %swap3A_120 = arith.constant 32 : index
      %swap3A_121 = tpu.vector_load %arg9[%swap3A_119, %swap3A_120] {strides = array<i32>} : memref<128x64xf32, #tpu.memory_space<vmem>>, vector<1x16xf32>,
      %swap3A_122 = vector.shape_cast %swap3A_121 : vector<1x16xf32> to vector<16xf32>
      %swap3A_123 = vector.shape_cast %broadcast_in_dim3A_118 : vector<16xf32> to vector<1x16xf32>
      tpu.vector_store %arg9[%swap3A_119, %swap3A_120], %swap3A_123 {strides = array<i32>} : memref<128x64xf32, #tpu.memory_space<vmem>>, vector<1x16xf32>,
      %broadcast_in_dim3A_124 = arith.constant 0.000000e+00 : f32
      %broadcast_in_dim3A_125 = vector.broadcast %broadcast_in_dim3A_124 : f32 to vector<16xf32>
      %swap3A_126 = arith.index_cast %add3A_104 : i32 to index
      %swap3A_127 = arith.constant 48 : index
      %swap3A_128 = tpu.vector_load %arg9[%swap3A_126, %swap3A_127] {strides = array<i32>} : memref<128x64xf32, #tpu.memory_space<vmem>>, vector<1x16xf32>,
      %swap3A_129 = vector.shape_cast %swap3A_128 : vector<1x16xf32> to vector<16xf32>
      %swap3A_130 = vector.shape_cast %broadcast_in_dim3A_125 : vector<16xf32> to vector<1x16xf32>
      tpu.vector_store %arg9[%swap3A_126, %swap3A_127], %swap3A_130 {strides = array<i32>} : memref<128x64xf32, #tpu.memory_space<vmem>>, vector<1x16xf32>,
    }
    %scan3A_3 = arith.constant 128 : i32
    %mul3A = arith.constant 640 : i32
    %mul3A_4 = arith.muli %arg1, %mul3A : i32
    %add3A = arith.constant 0 : i32
    %add3A_5 = arith.addi %mul3A_4, %add3A : i32
    "tpu.region"() ({
      %run_scoped3A = tpu.sem_alloc : memref<!tpu.dma_semaphore, #tpu.memory_space<semaphore_mem>>
      %dma_start3A_100 = arith.constant 0 : i32
      %dma_start3A_101 = tpu.memref_slice %arg10[%add3A_5, %dma_start3A_100] : memref<10240x64xf32, #tpu.memory_space<vmem_shared>> -> memref<128x64xf32, #tpu.memory_space<vmem_shared>>
      %dma_start3A_102 = arith.constant 0 : i32
      %dma_start3A_103 = tpu.memref_slice %arg10[%add3A_5, %dma_start3A_102] : memref<10240x64xf32, #tpu.memory_space<vmem_shared>> -> memref<128x64xf32, #tpu.memory_space<vmem_shared>>
      tpu.enqueue_dma source(%arg9 : memref<128x64xf32, #tpu.memory_space<vmem>>) target(%dma_start3A_103 : memref<128x64xf32, #tpu.memory_space<vmem_shared>>) target_semaphore(%run_scoped3A : memref<!tpu.dma_semaphore, #tpu.memory_space<semaphore_mem>>)
      %dma_wait3A = arith.constant 0 : i32
      %dma_wait3A_104 = tpu.memref_slice %arg10[%add3A_5, %dma_wait3A] : memref<10240x64xf32, #tpu.memory_space<vmem_shared>> -> memref<128x64xf32, #tpu.memory_space<vmem_shared>>
      %dma_wait3A_105 = arith.constant 0 : i32
      %dma_wait3A_106 = tpu.memref_slice %arg10[%add3A_5, %dma_wait3A_105] : memref<10240x64xf32, #tpu.memory_space<vmem_shared>> -> memref<128x64xf32, #tpu.memory_space<vmem_shared>>
      tpu.wait_dma2 semaphore(%run_scoped3A : memref<!tpu.dma_semaphore, #tpu.memory_space<semaphore_mem>>) src(%arg9 : memref<128x64xf32, #tpu.memory_space<vmem>>) dst(%dma_wait3A_106 : memref<128x64xf32, #tpu.memory_space<vmem_shared>>)
      tpu.yield
    }) : () -> ()
    %mul3A_6 = arith.constant 640 : i32
    %mul3A_7 = arith.muli %arg1, %mul3A_6 : i32
    %add3A_8 = arith.constant 128 : i32
    %add3A_9 = arith.addi %mul3A_7, %add3A_8 : i32
    "tpu.region"() ({
      %run_scoped3A = tpu.sem_alloc : memref<!tpu.dma_semaphore, #tpu.memory_space<semaphore_mem>>
      %dma_start3A_100 = arith.constant 0 : i32
      %dma_start3A_101 = tpu.memref_slice %arg10[%add3A_9, %dma_start3A_100] : memref<10240x64xf32, #tpu.memory_space<vmem_shared>> -> memref<128x64xf32, #tpu.memory_space<vmem_shared>>
      %dma_start3A_102 = arith.constant 0 : i32
      %dma_start3A_103 = tpu.memref_slice %arg10[%add3A_9, %dma_start3A_102] : memref<10240x64xf32, #tpu.memory_space<vmem_shared>> -> memref<128x64xf32, #tpu.memory_space<vmem_shared>>
      tpu.enqueue_dma source(%arg9 : memref<128x64xf32, #tpu.memory_space<vmem>>) target(%dma_start3A_103 : memref<128x64xf32, #tpu.memory_space<vmem_shared>>) target_semaphore(%run_scoped3A : memref<!tpu.dma_semaphore, #tpu.memory_space<semaphore_mem>>)
      %dma_wait3A = arith.constant 0 : i32
      %dma_wait3A_104 = tpu.memref_slice %arg10[%add3A_9, %dma_wait3A] : memref<10240x64xf32, #tpu.memory_space<vmem_shared>> -> memref<128x64xf32, #tpu.memory_space<vmem_shared>>
      %dma_wait3A_105 = arith.constant 0 : i32
      %dma_wait3A_106 = tpu.memref_slice %arg10[%add3A_9, %dma_wait3A_105] : memref<10240x64xf32, #tpu.memory_space<vmem_shared>> -> memref<128x64xf32, #tpu.memory_space<vmem_shared>>
      tpu.wait_dma2 semaphore(%run_scoped3A : memref<!tpu.dma_semaphore, #tpu.memory_space<semaphore_mem>>) src(%arg9 : memref<128x64xf32, #tpu.memory_space<vmem>>) dst(%dma_wait3A_106 : memref<128x64xf32, #tpu.memory_space<vmem_shared>>)
      tpu.yield
    }) : () -> ()
    %mul3A_10 = arith.constant 640 : i32
    %mul3A_11 = arith.muli %arg1, %mul3A_10 : i32
    %add3A_12 = arith.constant 256 : i32
    %add3A_13 = arith.addi %mul3A_11, %add3A_12 : i32
    "tpu.region"() ({
      %run_scoped3A = tpu.sem_alloc : memref<!tpu.dma_semaphore, #tpu.memory_space<semaphore_mem>>
      %dma_start3A_100 = arith.constant 0 : i32
      %dma_start3A_101 = tpu.memref_slice %arg10[%add3A_13, %dma_start3A_100] : memref<10240x64xf32, #tpu.memory_space<vmem_shared>> -> memref<128x64xf32, #tpu.memory_space<vmem_shared>>
      %dma_start3A_102 = arith.constant 0 : i32
      %dma_start3A_103 = tpu.memref_slice %arg10[%add3A_13, %dma_start3A_102] : memref<10240x64xf32, #tpu.memory_space<vmem_shared>> -> memref<128x64xf32, #tpu.memory_space<vmem_shared>>
      tpu.enqueue_dma source(%arg9 : memref<128x64xf32, #tpu.memory_space<vmem>>) target(%dma_start3A_103 : memref<128x64xf32, #tpu.memory_space<vmem_shared>>) target_semaphore(%run_scoped3A : memref<!tpu.dma_semaphore, #tpu.memory_space<semaphore_mem>>)
      %dma_wait3A = arith.constant 0 : i32
      %dma_wait3A_104 = tpu.memref_slice %arg10[%add3A_13, %dma_wait3A] : memref<10240x64xf32, #tpu.memory_space<vmem_shared>> -> memref<128x64xf32, #tpu.memory_space<vmem_shared>>
      %dma_wait3A_105 = arith.constant 0 : i32
      %dma_wait3A_106 = tpu.memref_slice %arg10[%add3A_13, %dma_wait3A_105] : memref<10240x64xf32, #tpu.memory_space<vmem_shared>> -> memref<128x64xf32, #tpu.memory_space<vmem_shared>>
      tpu.wait_dma2 semaphore(%run_scoped3A : memref<!tpu.dma_semaphore, #tpu.memory_space<semaphore_mem>>) src(%arg9 : memref<128x64xf32, #tpu.memory_space<vmem>>) dst(%dma_wait3A_106 : memref<128x64xf32, #tpu.memory_space<vmem_shared>>)
      tpu.yield
    }) : () -> ()
    %mul3A_14 = arith.constant 640 : i32
    %mul3A_15 = arith.muli %arg1, %mul3A_14 : i32
    %add3A_16 = arith.constant 384 : i32
    %add3A_17 = arith.addi %mul3A_15, %add3A_16 : i32
    "tpu.region"() ({
      %run_scoped3A = tpu.sem_alloc : memref<!tpu.dma_semaphore, #tpu.memory_space<semaphore_mem>>
      %dma_start3A_100 = arith.constant 0 : i32
      %dma_start3A_101 = tpu.memref_slice %arg10[%add3A_17, %dma_start3A_100] : memref<10240x64xf32, #tpu.memory_space<vmem_shared>> -> memref<128x64xf32, #tpu.memory_space<vmem_shared>>
      %dma_start3A_102 = arith.constant 0 : i32
      %dma_start3A_103 = tpu.memref_slice %arg10[%add3A_17, %dma_start3A_102] : memref<10240x64xf32, #tpu.memory_space<vmem_shared>> -> memref<128x64xf32, #tpu.memory_space<vmem_shared>>
      tpu.enqueue_dma source(%arg9 : memref<128x64xf32, #tpu.memory_space<vmem>>) target(%dma_start3A_103 : memref<128x64xf32, #tpu.memory_space<vmem_shared>>) target_semaphore(%run_scoped3A : memref<!tpu.dma_semaphore, #tpu.memory_space<semaphore_mem>>)
      %dma_wait3A = arith.constant 0 : i32
      %dma_wait3A_104 = tpu.memref_slice %arg10[%add3A_17, %dma_wait3A] : memref<10240x64xf32, #tpu.memory_space<vmem_shared>> -> memref<128x64xf32, #tpu.memory_space<vmem_shared>>
      %dma_wait3A_105 = arith.constant 0 : i32
      %dma_wait3A_106 = tpu.memref_slice %arg10[%add3A_17, %dma_wait3A_105] : memref<10240x64xf32, #tpu.memory_space<vmem_shared>> -> memref<128x64xf32, #tpu.memory_space<vmem_shared>>
      tpu.wait_dma2 semaphore(%run_scoped3A : memref<!tpu.dma_semaphore, #tpu.memory_space<semaphore_mem>>) src(%arg9 : memref<128x64xf32, #tpu.memory_space<vmem>>) dst(%dma_wait3A_106 : memref<128x64xf32, #tpu.memory_space<vmem_shared>>)
      tpu.yield
    }) : () -> ()
    %mul3A_18 = arith.constant 640 : i32
    %mul3A_19 = arith.muli %arg1, %mul3A_18 : i32
    %add3A_20 = arith.constant 512 : i32
    %add3A_21 = arith.addi %mul3A_19, %add3A_20 : i32
    "tpu.region"() ({
      %run_scoped3A = tpu.sem_alloc : memref<!tpu.dma_semaphore, #tpu.memory_space<semaphore_mem>>
      %dma_start3A_100 = arith.constant 0 : i32
      %dma_start3A_101 = tpu.memref_slice %arg10[%add3A_21, %dma_start3A_100] : memref<10240x64xf32, #tpu.memory_space<vmem_shared>> -> memref<128x64xf32, #tpu.memory_space<vmem_shared>>
      %dma_start3A_102 = arith.constant 0 : i32
      %dma_start3A_103 = tpu.memref_slice %arg10[%add3A_21, %dma_start3A_102] : memref<10240x64xf32, #tpu.memory_space<vmem_shared>> -> memref<128x64xf32, #tpu.memory_space<vmem_shared>>
      tpu.enqueue_dma source(%arg9 : memref<128x64xf32, #tpu.memory_space<vmem>>) target(%dma_start3A_103 : memref<128x64xf32, #tpu.memory_space<vmem_shared>>) target_semaphore(%run_scoped3A : memref<!tpu.dma_semaphore, #tpu.memory_space<semaphore_mem>>)
      %dma_wait3A = arith.constant 0 : i32
      %dma_wait3A_104 = tpu.memref_slice %arg10[%add3A_21, %dma_wait3A] : memref<10240x64xf32, #tpu.memory_space<vmem_shared>> -> memref<128x64xf32, #tpu.memory_space<vmem_shared>>
      %dma_wait3A_105 = arith.constant 0 : i32
      %dma_wait3A_106 = tpu.memref_slice %arg10[%add3A_21, %dma_wait3A_105] : memref<10240x64xf32, #tpu.memory_space<vmem_shared>> -> memref<128x64xf32, #tpu.memory_space<vmem_shared>>
      tpu.wait_dma2 semaphore(%run_scoped3A : memref<!tpu.dma_semaphore, #tpu.memory_space<semaphore_mem>>) src(%arg9 : memref<128x64xf32, #tpu.memory_space<vmem>>) dst(%dma_wait3A_106 : memref<128x64xf32, #tpu.memory_space<vmem_shared>>)
      tpu.yield
    }) : () -> ()
    %scan3A_22 = arith.constant 0 : i32
    %scan3A_23 = arith.constant 40 : i32
    %scan3A_24 = arith.addi %scan3A_22, %scan3A_23 : i32
    %scan3A_25 = arith.constant 1 : i32
    scf.for %scan3A_100 = %scan3A_22 to %scan3A_24 step %scan3A_25  : i32 {
      %mul3A_101 = arith.constant 1 : i32
      %mul3A_102 = arith.muli %scan3A_100, %mul3A_101 : i32
      %add3A_103 = arith.constant 0 : i32
      %add3A_104 = arith.addi %add3A_103, %mul3A_102 : i32
      %broadcast_in_dim3A = arith.constant 0.000000e+00 : f32
      %broadcast_in_dim3A_105 = vector.broadcast %broadcast_in_dim3A : f32 to vector<16xf32>
      %mul3A_106 = arith.constant 16 : i32
      %mul3A_107 = arith.muli %add3A_104, %mul3A_106 : i32
      %swap3A = arith.index_cast %mul3A_107 : i32 to index
      %swap3A_108 = tpu.vector_load %arg14[%swap3A] {strides = array<i32>} : memref<640xf32, #tpu.memory_space<vmem>>, vector<16xf32>,
      %swap3A_109 = vector.shape_cast %swap3A_108 : vector<16xf32> to vector<16xf32>
      %swap3A_110 = vector.shape_cast %broadcast_in_dim3A_105 : vector<16xf32> to vector<16xf32>
      tpu.vector_store %arg14[%swap3A], %swap3A_110 {strides = array<i32>} : memref<640xf32, #tpu.memory_space<vmem>>, vector<16xf32>,
    }
    %scan3A_26 = arith.constant 40 : i32
    %scan3A_27 = arith.constant 0 : i32
    %scan3A_28 = arith.constant 8 : i32
    %scan3A_29 = arith.addi %scan3A_27, %scan3A_28 : i32
    %scan3A_30 = arith.constant 1 : i32
    scf.for %scan3A_100 = %scan3A_27 to %scan3A_29 step %scan3A_30  : i32 {
      %mul3A_101 = arith.constant 1 : i32
      %mul3A_102 = arith.muli %scan3A_100, %mul3A_101 : i32
      %add3A_103 = arith.constant 0 : i32
      %add3A_104 = arith.addi %add3A_103, %mul3A_102 : i32
      %broadcast_in_dim3A = arith.constant 1.000000e+00 : f32
      %broadcast_in_dim3A_105 = vector.broadcast %broadcast_in_dim3A : f32 to vector<16xf32>
      %mul3A_106 = arith.constant 16 : i32
      %mul3A_107 = arith.muli %add3A_104, %mul3A_106 : i32
      %swap3A = arith.index_cast %mul3A_107 : i32 to index
      %swap3A_108 = tpu.vector_load %arg13[%swap3A] {strides = array<i32>} : memref<128xf32, #tpu.memory_space<vmem>>, vector<16xf32>,
      %swap3A_109 = vector.shape_cast %swap3A_108 : vector<16xf32> to vector<16xf32>
      %swap3A_110 = vector.shape_cast %broadcast_in_dim3A_105 : vector<16xf32> to vector<16xf32>
      tpu.vector_store %arg13[%swap3A], %swap3A_110 {strides = array<i32>} : memref<128xf32, #tpu.memory_space<vmem>>, vector<16xf32>,
    }
    %scan3A_31 = arith.constant 8 : i32
    %mul3A_32 = arith.constant 640 : i32
    %mul3A_33 = arith.muli %arg1, %mul3A_32 : i32
    "tpu.region"() ({
      %run_scoped3A = tpu.sem_alloc : memref<!tpu.dma_semaphore, #tpu.memory_space<semaphore_mem>>
      %dma_start3A_100 = tpu.memref_slice %arg15[%mul3A_33] : memref<10240xf32, #tpu.memory_space<vmem_shared>> -> memref<640xf32, #tpu.memory_space<vmem_shared>>
      %dma_start3A_101 = tpu.memref_slice %arg15[%mul3A_33] : memref<10240xf32, #tpu.memory_space<vmem_shared>> -> memref<640xf32, #tpu.memory_space<vmem_shared>>
      tpu.enqueue_dma source(%arg14 : memref<640xf32, #tpu.memory_space<vmem>>) target(%dma_start3A_101 : memref<640xf32, #tpu.memory_space<vmem_shared>>) target_semaphore(%run_scoped3A : memref<!tpu.dma_semaphore, #tpu.memory_space<semaphore_mem>>)
      %dma_wait3A = tpu.memref_slice %arg15[%mul3A_33] : memref<10240xf32, #tpu.memory_space<vmem_shared>> -> memref<640xf32, #tpu.memory_space<vmem_shared>>
      %dma_wait3A_102 = tpu.memref_slice %arg15[%mul3A_33] : memref<10240xf32, #tpu.memory_space<vmem_shared>> -> memref<640xf32, #tpu.memory_space<vmem_shared>>
      tpu.wait_dma2 semaphore(%run_scoped3A : memref<!tpu.dma_semaphore, #tpu.memory_space<semaphore_mem>>) src(%arg14 : memref<640xf32, #tpu.memory_space<vmem>>) dst(%dma_wait3A_102 : memref<640xf32, #tpu.memory_space<vmem_shared>>)
      tpu.yield
    }) : () -> ()
    %barrier3A = arith.constant 0 : index
    tpu.barrier barrier_id(%barrier3A)
    %mul3A_34 = arith.constant 79 : i32
    %mul3A_35 = arith.muli %arg0, %mul3A_34 : i32
    %add3A_36 = arith.constant 79 : i32
    %add3A_37 = arith.addi %mul3A_35, %add3A_36 : i32
    %dma_start3A = arith.constant 0 : i32
    %dma_start3A_38 = arith.constant 0 : i32
    %dma_start3A_39 = arith.constant 0 : i32
    %dma_start3A_40 = arith.constant 0 : i32
    %dma_start3A_41 = tpu.memref_slice %arg6[%dma_start3A, %dma_start3A_39, %dma_start3A_40] : memref<2x158x128xi32, #tpu.memory_space<vmem>> -> memref<1x158x128xi32, #tpu.memory_space<vmem>>
    %dma_start3A_42 = tpu.memref_squeeze %dma_start3A_41 : memref<1x158x128xi32, #tpu.memory_space<vmem>> -> memref<158x128xi32, #tpu.memory_space<vmem>>
    %dma_start3A_43 = arith.constant 0 : i32
    %dma_start3A_44 = tpu.memref_slice %dma_start3A_42[%dma_start3A_38, %dma_start3A_43] : memref<158x128xi32, #tpu.memory_space<vmem>> -> memref<1x128xi32, #tpu.memory_space<vmem>>
    %dma_start3A_45 = tpu.memref_squeeze %dma_start3A_44 : memref<1x128xi32, #tpu.memory_space<vmem>> -> memref<128xi32, #tpu.memory_space<vmem>>
    %dma_start3A_46 = arith.constant 0 : i32
    %dma_start3A_47 = arith.constant 0 : i32
    %dma_start3A_48 = tpu.memref_slice %arg2[%arg0, %dma_start3A_46, %dma_start3A_47] : memref<2x10240x64xf32, #tpu.memory_space<hbm>> -> memref<1x10240x64xf32, #tpu.memory_space<hbm>>
    %dma_start3A_49 = tpu.memref_squeeze %dma_start3A_48 : memref<1x10240x64xf32, #tpu.memory_space<hbm>> -> memref<10240x64xf32, #tpu.memory_space<hbm>>
    %dma_start3A_50 = arith.constant 0 : i32
    %dma_start3A_51 = arith.constant 0 : i32
    %dma_start3A_52 = tpu.memref_slice %dma_start3A_49[%dma_start3A_50, %dma_start3A_51] : memref<10240x64xf32, #tpu.memory_space<hbm>> -> memref<10240x64xf32, #tpu.memory_space<hbm>>
    tpu.enqueue_indirect_dma source(%dma_start3A_52 : memref<10240x64xf32, #tpu.memory_space<hbm>>) target(%arg7 : memref<128x64xf32, #tpu.memory_space<vmem>>) offsets(%dma_start3A_45 : memref<128xi32, #tpu.memory_space<vmem>>) semaphore(%arg11 : memref<!tpu.dma_semaphore, #tpu.memory_space<semaphore_mem>>)
    %dma_start3A_53 = arith.constant 0 : i32
    %dma_start3A_54 = arith.constant 1 : i32
    %dma_start3A_55 = arith.constant 0 : i32
    %dma_start3A_56 = arith.constant 0 : i32
    %dma_start3A_57 = tpu.memref_slice %arg6[%dma_start3A_53, %dma_start3A_55, %dma_start3A_56] : memref<2x158x128xi32, #tpu.memory_space<vmem>> -> memref<1x158x128xi32, #tpu.memory_space<vmem>>
    %dma_start3A_58 = tpu.memref_squeeze %dma_start3A_57 : memref<1x158x128xi32, #tpu.memory_space<vmem>> -> memref<158x128xi32, #tpu.memory_space<vmem>>
    %dma_start3A_59 = arith.constant 0 : i32
    %dma_start3A_60 = tpu.memref_slice %dma_start3A_58[%dma_start3A_54, %dma_start3A_59] : memref<158x128xi32, #tpu.memory_space<vmem>> -> memref<1x128xi32, #tpu.memory_space<vmem>>
    %dma_start3A_61 = tpu.memref_squeeze %dma_start3A_60 : memref<1x128xi32, #tpu.memory_space<vmem>> -> memref<128xi32, #tpu.memory_space<vmem>>
    %dma_start3A_62 = arith.constant 0 : i32
    %dma_start3A_63 = arith.constant 0 : i32
    %dma_start3A_64 = tpu.memref_slice %arg2[%arg0, %dma_start3A_62, %dma_start3A_63] : memref<2x10240x64xf32, #tpu.memory_space<hbm>> -> memref<1x10240x64xf32, #tpu.memory_space<hbm>>
    %dma_start3A_65 = tpu.memref_squeeze %dma_start3A_64 : memref<1x10240x64xf32, #tpu.memory_space<hbm>> -> memref<10240x64xf32, #tpu.memory_space<hbm>>
    %dma_start3A_66 = arith.constant 0 : i32
    %dma_start3A_67 = arith.constant 0 : i32
    %dma_start3A_68 = tpu.memref_slice %dma_start3A_65[%dma_start3A_66, %dma_start3A_67] : memref<10240x64xf32, #tpu.memory_space<hbm>> -> memref<10240x64xf32, #tpu.memory_space<hbm>>
    tpu.enqueue_indirect_dma source(%dma_start3A_68 : memref<10240x64xf32, #tpu.memory_space<hbm>>) target(%arg8 : memref<128x64xf32, #tpu.memory_space<vmem>>) offsets(%dma_start3A_61 : memref<128xi32, #tpu.memory_space<vmem>>) semaphore(%arg12 : memref<!tpu.dma_semaphore, #tpu.memory_space<semaphore_mem>>)
    %scan3A_69 = arith.constant 0 : i32
    %scan3A_70 = arith.constant 1 : i32
    %scan3A_71 = arith.constant 0 : i32
    %scan3A_72 = arith.constant 79 : i32
    %scan3A_73 = arith.addi %scan3A_71, %scan3A_72 : i32
    %scan3A_74 = arith.constant 1 : i32
    scf.for %scan3A_100 = %scan3A_71 to %scan3A_73 step %scan3A_74  : i32 {
      %mul3A_101 = arith.constant 2 : i32
      %mul3A_102 = arith.muli %scan3A_100, %mul3A_101 : i32
      %add3A_103 = arith.constant 0 : i32
      %add3A_104 = arith.addi %add3A_103, %mul3A_102 : i32
      %add3A_105 = arith.constant 0 : i32
      %add3A_106 = arith.addi %add3A_104, %add3A_105 : i32
      %dma_wait3A = arith.constant 0 : i32
      %dma_wait3A_107 = arith.constant 0 : i32
      %dma_wait3A_108 = tpu.memref_slice %arg6[%scan3A_69, %dma_wait3A, %dma_wait3A_107] : memref<2x158x128xi32, #tpu.memory_space<vmem>> -> memref<1x158x128xi32, #tpu.memory_space<vmem>>
      %dma_wait3A_109 = tpu.memref_squeeze %dma_wait3A_108 : memref<1x158x128xi32, #tpu.memory_space<vmem>> -> memref<158x128xi32, #tpu.memory_space<vmem>>
      %dma_wait3A_110 = arith.constant 0 : i32
      %dma_wait3A_111 = tpu.memref_slice %dma_wait3A_109[%add3A_106, %dma_wait3A_110] : memref<158x128xi32, #tpu.memory_space<vmem>> -> memref<1x128xi32, #tpu.memory_space<vmem>>
      %dma_wait3A_112 = tpu.memref_squeeze %dma_wait3A_111 : memref<1x128xi32, #tpu.memory_space<vmem>> -> memref<128xi32, #tpu.memory_space<vmem>>
      %dma_wait3A_113 = arith.constant 0 : i32
      %dma_wait3A_114 = arith.constant 0 : i32
      %dma_wait3A_115 = tpu.memref_slice %arg2[%arg0, %dma_wait3A_113, %dma_wait3A_114] : memref<2x10240x64xf32, #tpu.memory_space<hbm>> -> memref<1x10240x64xf32, #tpu.memory_space<hbm>>
      %dma_wait3A_116 = tpu.memref_squeeze %dma_wait3A_115 : memref<1x10240x64xf32, #tpu.memory_space<hbm>> -> memref<10240x64xf32, #tpu.memory_space<hbm>>
      %dma_wait3A_117 = arith.constant 0 : i32
      %dma_wait3A_118 = arith.constant 0 : i32
      %dma_wait3A_119 = tpu.memref_slice %dma_wait3A_116[%dma_wait3A_117, %dma_wait3A_118] : memref<10240x64xf32, #tpu.memory_space<hbm>> -> memref<10240x64xf32, #tpu.memory_space<hbm>>
      tpu.wait_indirect_dma semaphore(%arg11 : memref<!tpu.dma_semaphore, #tpu.memory_space<semaphore_mem>>) src(%dma_wait3A_119 : memref<10240x64xf32, #tpu.memory_space<hbm>>) dst(%arg7 : memref<128x64xf32, #tpu.memory_space<vmem>>)
      "tpu.region"() ({
        %run_scoped3A = tpu.sem_alloc : memref<!tpu.dma_semaphore, #tpu.memory_space<semaphore_mem>>
        %dma_start3A_157 = arith.constant 0 : i32
        %dma_start3A_158 = arith.constant 0 : i32
        %dma_start3A_159 = tpu.memref_slice %arg6[%scan3A_70, %dma_start3A_157, %dma_start3A_158] : memref<2x158x128xi32, #tpu.memory_space<vmem>> -> memref<1x158x128xi32, #tpu.memory_space<vmem>>
        %dma_start3A_160 = tpu.memref_squeeze %dma_start3A_159 : memref<1x158x128xi32, #tpu.memory_space<vmem>> -> memref<158x128xi32, #tpu.memory_space<vmem>>
        %dma_start3A_161 = arith.constant 0 : i32
        %dma_start3A_162 = tpu.memref_slice %dma_start3A_160[%add3A_106, %dma_start3A_161] : memref<158x128xi32, #tpu.memory_space<vmem>> -> memref<1x128xi32, #tpu.memory_space<vmem>>
        %dma_start3A_163 = tpu.memref_squeeze %dma_start3A_162 : memref<1x128xi32, #tpu.memory_space<vmem>> -> memref<128xi32, #tpu.memory_space<vmem>>
        %dma_start3A_164 = arith.constant 0 : i32
        %dma_start3A_165 = arith.constant 0 : i32
        %dma_start3A_166 = tpu.memref_slice %arg10[%dma_start3A_164, %dma_start3A_165] : memref<10240x64xf32, #tpu.memory_space<vmem_shared>> -> memref<10240x64xf32, #tpu.memory_space<vmem_shared>>
        tpu.enqueue_indirect_dma source(%arg7 : memref<128x64xf32, #tpu.memory_space<vmem>>) target(%dma_start3A_166 : memref<10240x64xf32, #tpu.memory_space<vmem_shared>>) offsets(%dma_start3A_163 : memref<128xi32, #tpu.memory_space<vmem>>) semaphore(%run_scoped3A : memref<!tpu.dma_semaphore, #tpu.memory_space<semaphore_mem>>) {add = true}
        %dma_wait3A_167 = arith.constant 0 : i32
        %dma_wait3A_168 = arith.constant 0 : i32
        %dma_wait3A_169 = tpu.memref_slice %arg6[%scan3A_70, %dma_wait3A_167, %dma_wait3A_168] : memref<2x158x128xi32, #tpu.memory_space<vmem>> -> memref<1x158x128xi32, #tpu.memory_space<vmem>>
        %dma_wait3A_170 = tpu.memref_squeeze %dma_wait3A_169 : memref<1x158x128xi32, #tpu.memory_space<vmem>> -> memref<158x128xi32, #tpu.memory_space<vmem>>
        %dma_wait3A_171 = arith.constant 0 : i32
        %dma_wait3A_172 = tpu.memref_slice %dma_wait3A_170[%add3A_106, %dma_wait3A_171] : memref<158x128xi32, #tpu.memory_space<vmem>> -> memref<1x128xi32, #tpu.memory_space<vmem>>
        %dma_wait3A_173 = tpu.memref_squeeze %dma_wait3A_172 : memref<1x128xi32, #tpu.memory_space<vmem>> -> memref<128xi32, #tpu.memory_space<vmem>>
        %dma_wait3A_174 = arith.constant 0 : i32
        %dma_wait3A_175 = arith.constant 0 : i32
        %dma_wait3A_176 = tpu.memref_slice %arg10[%dma_wait3A_174, %dma_wait3A_175] : memref<10240x64xf32, #tpu.memory_space<vmem_shared>> -> memref<10240x64xf32, #tpu.memory_space<vmem_shared>>
        tpu.wait_indirect_dma semaphore(%run_scoped3A : memref<!tpu.dma_semaphore, #tpu.memory_space<semaphore_mem>>) src(%arg7 : memref<128x64xf32, #tpu.memory_space<vmem>>) dst(%dma_wait3A_176 : memref<10240x64xf32, #tpu.memory_space<vmem_shared>>)
        tpu.yield
      }) : () -> ()
      %ge3A = arith.cmpi sge, %add3A_106, %mul3A_35 : i32
      %lt3A = arith.cmpi slt, %add3A_106, %add3A_37 : i32
      %and3A = arith.andi %ge3A, %lt3A : i1
      %convert_element_type3A = arith.extui %and3A : i1 to i32
      %cond3A = arith.constant 0 : i32
      %cond3A_120 = arith.cmpi ne, %convert_element_type3A, %cond3A : i32
      scf.if %cond3A_120 {
        %dma_start3A_157 = arith.constant 0 : i32
        %dma_start3A_158 = arith.constant 0 : i32
        %dma_start3A_159 = tpu.memref_slice %arg6[%scan3A_70, %dma_start3A_157, %dma_start3A_158] : memref<2x158x128xi32, #tpu.memory_space<vmem>> -> memref<1x158x128xi32, #tpu.memory_space<vmem>>
        %dma_start3A_160 = tpu.memref_squeeze %dma_start3A_159 : memref<1x158x128xi32, #tpu.memory_space<vmem>> -> memref<158x128xi32, #tpu.memory_space<vmem>>
        %dma_start3A_161 = arith.constant 0 : i32
        %dma_start3A_162 = tpu.memref_slice %dma_start3A_160[%add3A_106, %dma_start3A_161] : memref<158x128xi32, #tpu.memory_space<vmem>> -> memref<1x128xi32, #tpu.memory_space<vmem>>
        %dma_start3A_163 = tpu.memref_squeeze %dma_start3A_162 : memref<1x128xi32, #tpu.memory_space<vmem>> -> memref<128xi32, #tpu.memory_space<vmem>>
        %dma_start3A_164 = arith.constant 0 : i32
        %dma_start3A_165 = tpu.memref_slice %arg15[%dma_start3A_164] : memref<10240xf32, #tpu.memory_space<vmem_shared>> -> memref<10240xf32, #tpu.memory_space<vmem_shared>>
        tpu.enqueue_indirect_dma source(%arg13 : memref<128xf32, #tpu.memory_space<vmem>>) target(%dma_start3A_165 : memref<10240xf32, #tpu.memory_space<vmem_shared>>) offsets(%dma_start3A_163 : memref<128xi32, #tpu.memory_space<vmem>>) semaphore(%arg16 : memref<!tpu.dma_semaphore, #tpu.memory_space<semaphore_mem>>) {add = true}
      } else {
      }
      %add3A_121 = arith.constant 2 : i32
      %add3A_122 = arith.addi %add3A_106, %add3A_121 : i32
      %lt3A_123 = arith.constant 158 : i32
      %lt3A_124 = arith.cmpi slt, %add3A_122, %lt3A_123 : i32
      %convert_element_type3A_125 = arith.extui %lt3A_124 : i1 to i32
      %cond3A_126 = arith.constant 0 : i32
      %cond3A_127 = arith.cmpi ne, %convert_element_type3A_125, %cond3A_126 : i32
      scf.if %cond3A_127 {
        %add3A_157 = arith.constant 2 : i32
        %add3A_158 = arith.addi %add3A_106, %add3A_157 : i32
        %dma_start3A_159 = arith.constant 0 : i32
        %dma_start3A_160 = arith.constant 0 : i32
        %dma_start3A_161 = tpu.memref_slice %arg6[%scan3A_69, %dma_start3A_159, %dma_start3A_160] : memref<2x158x128xi32, #tpu.memory_space<vmem>> -> memref<1x158x128xi32, #tpu.memory_space<vmem>>
        %dma_start3A_162 = tpu.memref_squeeze %dma_start3A_161 : memref<1x158x128xi32, #tpu.memory_space<vmem>> -> memref<158x128xi32, #tpu.memory_space<vmem>>
        %dma_start3A_163 = arith.constant 0 : i32
        %dma_start3A_164 = tpu.memref_slice %dma_start3A_162[%add3A_158, %dma_start3A_163] : memref<158x128xi32, #tpu.memory_space<vmem>> -> memref<1x128xi32, #tpu.memory_space<vmem>>
        %dma_start3A_165 = tpu.memref_squeeze %dma_start3A_164 : memref<1x128xi32, #tpu.memory_space<vmem>> -> memref<128xi32, #tpu.memory_space<vmem>>
        %dma_start3A_166 = arith.constant 0 : i32
        %dma_start3A_167 = arith.constant 0 : i32
        %dma_start3A_168 = tpu.memref_slice %arg2[%arg0, %dma_start3A_166, %dma_start3A_167] : memref<2x10240x64xf32, #tpu.memory_space<hbm>> -> memref<1x10240x64xf32, #tpu.memory_space<hbm>>
        %dma_start3A_169 = tpu.memref_squeeze %dma_start3A_168 : memref<1x10240x64xf32, #tpu.memory_space<hbm>> -> memref<10240x64xf32, #tpu.memory_space<hbm>>
        %dma_start3A_170 = arith.constant 0 : i32
        %dma_start3A_171 = arith.constant 0 : i32
        %dma_start3A_172 = tpu.memref_slice %dma_start3A_169[%dma_start3A_170, %dma_start3A_171] : memref<10240x64xf32, #tpu.memory_space<hbm>> -> memref<10240x64xf32, #tpu.memory_space<hbm>>
        tpu.enqueue_indirect_dma source(%dma_start3A_172 : memref<10240x64xf32, #tpu.memory_space<hbm>>) target(%arg7 : memref<128x64xf32, #tpu.memory_space<vmem>>) offsets(%dma_start3A_165 : memref<128xi32, #tpu.memory_space<vmem>>) semaphore(%arg11 : memref<!tpu.dma_semaphore, #tpu.memory_space<semaphore_mem>>)
      } else {
      }
      %add3A_128 = arith.constant 1 : i32
      %add3A_129 = arith.addi %add3A_104, %add3A_128 : i32
      %dma_wait3A_130 = arith.constant 0 : i32
      %dma_wait3A_131 = arith.constant 0 : i32
      %dma_wait3A_132 = tpu.memref_slice %arg6[%scan3A_69, %dma_wait3A_130, %dma_wait3A_131] : memref<2x158x128xi32, #tpu.memory_space<vmem>> -> memref<1x158x128xi32, #tpu.memory_space<vmem>>
      %dma_wait3A_133 = tpu.memref_squeeze %dma_wait3A_132 : memref<1x158x128xi32, #tpu.memory_space<vmem>> -> memref<158x128xi32, #tpu.memory_space<vmem>>
      %dma_wait3A_134 = arith.constant 0 : i32
      %dma_wait3A_135 = tpu.memref_slice %dma_wait3A_133[%add3A_129, %dma_wait3A_134] : memref<158x128xi32, #tpu.memory_space<vmem>> -> memref<1x128xi32, #tpu.memory_space<vmem>>
      %dma_wait3A_136 = tpu.memref_squeeze %dma_wait3A_135 : memref<1x128xi32, #tpu.memory_space<vmem>> -> memref<128xi32, #tpu.memory_space<vmem>>
      %dma_wait3A_137 = arith.constant 0 : i32
      %dma_wait3A_138 = arith.constant 0 : i32
      %dma_wait3A_139 = tpu.memref_slice %arg2[%arg0, %dma_wait3A_137, %dma_wait3A_138] : memref<2x10240x64xf32, #tpu.memory_space<hbm>> -> memref<1x10240x64xf32, #tpu.memory_space<hbm>>
      %dma_wait3A_140 = tpu.memref_squeeze %dma_wait3A_139 : memref<1x10240x64xf32, #tpu.memory_space<hbm>> -> memref<10240x64xf32, #tpu.memory_space<hbm>>
      %dma_wait3A_141 = arith.constant 0 : i32
      %dma_wait3A_142 = arith.constant 0 : i32
      %dma_wait3A_143 = tpu.memref_slice %dma_wait3A_140[%dma_wait3A_141, %dma_wait3A_142] : memref<10240x64xf32, #tpu.memory_space<hbm>> -> memref<10240x64xf32, #tpu.memory_space<hbm>>
      tpu.wait_indirect_dma semaphore(%arg12 : memref<!tpu.dma_semaphore, #tpu.memory_space<semaphore_mem>>) src(%dma_wait3A_143 : memref<10240x64xf32, #tpu.memory_space<hbm>>) dst(%arg8 : memref<128x64xf32, #tpu.memory_space<vmem>>)
      "tpu.region"() ({
        %run_scoped3A = tpu.sem_alloc : memref<!tpu.dma_semaphore, #tpu.memory_space<semaphore_mem>>
        %dma_start3A_157 = arith.constant 0 : i32
        %dma_start3A_158 = arith.constant 0 : i32
        %dma_start3A_159 = tpu.memref_slice %arg6[%scan3A_70, %dma_start3A_157, %dma_start3A_158] : memref<2x158x128xi32, #tpu.memory_space<vmem>> -> memref<1x158x128xi32, #tpu.memory_space<vmem>>
        %dma_start3A_160 = tpu.memref_squeeze %dma_start3A_159 : memref<1x158x128xi32, #tpu.memory_space<vmem>> -> memref<158x128xi32, #tpu.memory_space<vmem>>
        %dma_start3A_161 = arith.constant 0 : i32
        %dma_start3A_162 = tpu.memref_slice %dma_start3A_160[%add3A_129, %dma_start3A_161] : memref<158x128xi32, #tpu.memory_space<vmem>> -> memref<1x128xi32, #tpu.memory_space<vmem>>
        %dma_start3A_163 = tpu.memref_squeeze %dma_start3A_162 : memref<1x128xi32, #tpu.memory_space<vmem>> -> memref<128xi32, #tpu.memory_space<vmem>>
        %dma_start3A_164 = arith.constant 0 : i32
        %dma_start3A_165 = arith.constant 0 : i32
        %dma_start3A_166 = tpu.memref_slice %arg10[%dma_start3A_164, %dma_start3A_165] : memref<10240x64xf32, #tpu.memory_space<vmem_shared>> -> memref<10240x64xf32, #tpu.memory_space<vmem_shared>>
        tpu.enqueue_indirect_dma source(%arg8 : memref<128x64xf32, #tpu.memory_space<vmem>>) target(%dma_start3A_166 : memref<10240x64xf32, #tpu.memory_space<vmem_shared>>) offsets(%dma_start3A_163 : memref<128xi32, #tpu.memory_space<vmem>>) semaphore(%run_scoped3A : memref<!tpu.dma_semaphore, #tpu.memory_space<semaphore_mem>>) {add = true}
        %dma_wait3A_167 = arith.constant 0 : i32
        %dma_wait3A_168 = arith.constant 0 : i32
        %dma_wait3A_169 = tpu.memref_slice %arg6[%scan3A_70, %dma_wait3A_167, %dma_wait3A_168] : memref<2x158x128xi32, #tpu.memory_space<vmem>> -> memref<1x158x128xi32, #tpu.memory_space<vmem>>
        %dma_wait3A_170 = tpu.memref_squeeze %dma_wait3A_169 : memref<1x158x128xi32, #tpu.memory_space<vmem>> -> memref<158x128xi32, #tpu.memory_space<vmem>>
        %dma_wait3A_171 = arith.constant 0 : i32
        %dma_wait3A_172 = tpu.memref_slice %dma_wait3A_170[%add3A_129, %dma_wait3A_171] : memref<158x128xi32, #tpu.memory_space<vmem>> -> memref<1x128xi32, #tpu.memory_space<vmem>>
        %dma_wait3A_173 = tpu.memref_squeeze %dma_wait3A_172 : memref<1x128xi32, #tpu.memory_space<vmem>> -> memref<128xi32, #tpu.memory_space<vmem>>
        %dma_wait3A_174 = arith.constant 0 : i32
        %dma_wait3A_175 = arith.constant 0 : i32
        %dma_wait3A_176 = tpu.memref_slice %arg10[%dma_wait3A_174, %dma_wait3A_175] : memref<10240x64xf32, #tpu.memory_space<vmem_shared>> -> memref<10240x64xf32, #tpu.memory_space<vmem_shared>>
        tpu.wait_indirect_dma semaphore(%run_scoped3A : memref<!tpu.dma_semaphore, #tpu.memory_space<semaphore_mem>>) src(%arg8 : memref<128x64xf32, #tpu.memory_space<vmem>>) dst(%dma_wait3A_176 : memref<10240x64xf32, #tpu.memory_space<vmem_shared>>)
        tpu.yield
      }) : () -> ()
      %ge3A_144 = arith.cmpi sge, %add3A_129, %mul3A_35 : i32
      %lt3A_145 = arith.cmpi slt, %add3A_129, %add3A_37 : i32
      %and3A_146 = arith.andi %ge3A_144, %lt3A_145 : i1
      %convert_element_type3A_147 = arith.extui %and3A_146 : i1 to i32
      %cond3A_148 = arith.constant 0 : i32
      %cond3A_149 = arith.cmpi ne, %convert_element_type3A_147, %cond3A_148 : i32
      scf.if %cond3A_149 {
        %dma_start3A_157 = arith.constant 0 : i32
        %dma_start3A_158 = arith.constant 0 : i32
        %dma_start3A_159 = tpu.memref_slice %arg6[%scan3A_70, %dma_start3A_157, %dma_start3A_158] : memref<2x158x128xi32, #tpu.memory_space<vmem>> -> memref<1x158x128xi32, #tpu.memory_space<vmem>>
        %dma_start3A_160 = tpu.memref_squeeze %dma_start3A_159 : memref<1x158x128xi32, #tpu.memory_space<vmem>> -> memref<158x128xi32, #tpu.memory_space<vmem>>
        %dma_start3A_161 = arith.constant 0 : i32
        %dma_start3A_162 = tpu.memref_slice %dma_start3A_160[%add3A_129, %dma_start3A_161] : memref<158x128xi32, #tpu.memory_space<vmem>> -> memref<1x128xi32, #tpu.memory_space<vmem>>
        %dma_start3A_163 = tpu.memref_squeeze %dma_start3A_162 : memref<1x128xi32, #tpu.memory_space<vmem>> -> memref<128xi32, #tpu.memory_space<vmem>>
        %dma_start3A_164 = arith.constant 0 : i32
        %dma_start3A_165 = tpu.memref_slice %arg15[%dma_start3A_164] : memref<10240xf32, #tpu.memory_space<vmem_shared>> -> memref<10240xf32, #tpu.memory_space<vmem_shared>>
        tpu.enqueue_indirect_dma source(%arg13 : memref<128xf32, #tpu.memory_space<vmem>>) target(%dma_start3A_165 : memref<10240xf32, #tpu.memory_space<vmem_shared>>) offsets(%dma_start3A_163 : memref<128xi32, #tpu.memory_space<vmem>>) semaphore(%arg16 : memref<!tpu.dma_semaphore, #tpu.memory_space<semaphore_mem>>) {add = true}
      } else {
      }
      %add3A_150 = arith.constant 2 : i32
      %add3A_151 = arith.addi %add3A_129, %add3A_150 : i32
      %lt3A_152 = arith.constant 158 : i32
      %lt3A_153 = arith.cmpi slt, %add3A_151, %lt3A_152 : i32
      %convert_element_type3A_154 = arith.extui %lt3A_153 : i1 to i32
      %cond3A_155 = arith.constant 0 : i32
      %cond3A_156 = arith.cmpi ne, %convert_element_type3A_154, %cond3A_155 : i32
      scf.if %cond3A_156 {
        %add3A_157 = arith.constant 2 : i32
        %add3A_158 = arith.addi %add3A_129, %add3A_157 : i32
        %dma_start3A_159 = arith.constant 0 : i32
        %dma_start3A_160 = arith.constant 0 : i32
        %dma_start3A_161 = tpu.memref_slice %arg6[%scan3A_69, %dma_start3A_159, %dma_start3A_160] : memref<2x158x128xi32, #tpu.memory_space<vmem>> -> memref<1x158x128xi32, #tpu.memory_space<vmem>>
        %dma_start3A_162 = tpu.memref_squeeze %dma_start3A_161 : memref<1x158x128xi32, #tpu.memory_space<vmem>> -> memref<158x128xi32, #tpu.memory_space<vmem>>
        %dma_start3A_163 = arith.constant 0 : i32
        %dma_start3A_164 = tpu.memref_slice %dma_start3A_162[%add3A_158, %dma_start3A_163] : memref<158x128xi32, #tpu.memory_space<vmem>> -> memref<1x128xi32, #tpu.memory_space<vmem>>
        %dma_start3A_165 = tpu.memref_squeeze %dma_start3A_164 : memref<1x128xi32, #tpu.memory_space<vmem>> -> memref<128xi32, #tpu.memory_space<vmem>>
        %dma_start3A_166 = arith.constant 0 : i32
        %dma_start3A_167 = arith.constant 0 : i32
        %dma_start3A_168 = tpu.memref_slice %arg2[%arg0, %dma_start3A_166, %dma_start3A_167] : memref<2x10240x64xf32, #tpu.memory_space<hbm>> -> memref<1x10240x64xf32, #tpu.memory_space<hbm>>
        %dma_start3A_169 = tpu.memref_squeeze %dma_start3A_168 : memref<1x10240x64xf32, #tpu.memory_space<hbm>> -> memref<10240x64xf32, #tpu.memory_space<hbm>>
        %dma_start3A_170 = arith.constant 0 : i32
        %dma_start3A_171 = arith.constant 0 : i32
        %dma_start3A_172 = tpu.memref_slice %dma_start3A_169[%dma_start3A_170, %dma_start3A_171] : memref<10240x64xf32, #tpu.memory_space<hbm>> -> memref<10240x64xf32, #tpu.memory_space<hbm>>
        tpu.enqueue_indirect_dma source(%dma_start3A_172 : memref<10240x64xf32, #tpu.memory_space<hbm>>) target(%arg8 : memref<128x64xf32, #tpu.memory_space<vmem>>) offsets(%dma_start3A_165 : memref<128xi32, #tpu.memory_space<vmem>>) semaphore(%arg12 : memref<!tpu.dma_semaphore, #tpu.memory_space<semaphore_mem>>)
      } else {
      }
    }
    %scan3A_75 = arith.constant 79 : i32
    %sub3A = arith.subi %add3A_37, %mul3A_35 : i32
    %sub3A_76 = arith.constant 1 : i32
    %sub3A_77 = arith.constant 1 : i32
    %sub3A_78 = arith.subi %sub3A_76, %sub3A_77 : i32
    %add3A_79 = arith.addi %sub3A, %sub3A_78 : i32
    %div3A = arith.constant 1 : i32
    %div3A_80 = arith.divsi %add3A_79, %div3A : i32
    %while3A = arith.constant 1 : i32
    %while3A_81 = arith.constant 1 : i32
    %while3A_82 = arith.constant 0 : i32
    %while3A_83 = arith.subi %div3A_80, %while3A_82 : i32
    %while3A_84 = arith.addi %while3A_82, %while3A_83 : i32
    %while3A_85 = arith.constant 1 : i32
    %while3A_86 = arith.divsi %while3A_83, %while3A_85 : i32
    %while3A_87 = arith.muli %while3A_86, %while3A_85 : i32
    %while3A_88 = arith.addi %while3A_82, %while3A_87 : i32
    %while3A_89 = arith.constant 1 : i32
    scf.for %while3A_100 = %while3A_82 to %while3A_88 step %while3A_89  : i32 {
      %mul3A_101 = arith.muli %while3A_100, %while3A : i32
      %add3A_102 = arith.addi %mul3A_35, %mul3A_101 : i32
      %dma_wait3A = arith.constant 0 : i32
      %dma_wait3A_103 = arith.constant 0 : i32
      %dma_wait3A_104 = tpu.memref_slice %arg6[%while3A_81, %dma_wait3A, %dma_wait3A_103] : memref<2x158x128xi32, #tpu.memory_space<vmem>> -> memref<1x158x128xi32, #tpu.memory_space<vmem>>
      %dma_wait3A_105 = tpu.memref_squeeze %dma_wait3A_104 : memref<1x158x128xi32, #tpu.memory_space<vmem>> -> memref<158x128xi32, #tpu.memory_space<vmem>>
      %dma_wait3A_106 = arith.constant 0 : i32
      %dma_wait3A_107 = tpu.memref_slice %dma_wait3A_105[%add3A_102, %dma_wait3A_106] : memref<158x128xi32, #tpu.memory_space<vmem>> -> memref<1x128xi32, #tpu.memory_space<vmem>>
      %dma_wait3A_108 = tpu.memref_squeeze %dma_wait3A_107 : memref<1x128xi32, #tpu.memory_space<vmem>> -> memref<128xi32, #tpu.memory_space<vmem>>
      %dma_wait3A_109 = arith.constant 0 : i32
      %dma_wait3A_110 = tpu.memref_slice %arg15[%dma_wait3A_109] : memref<10240xf32, #tpu.memory_space<vmem_shared>> -> memref<10240xf32, #tpu.memory_space<vmem_shared>>
      tpu.wait_indirect_dma semaphore(%arg16 : memref<!tpu.dma_semaphore, #tpu.memory_space<semaphore_mem>>) src(%arg13 : memref<128xf32, #tpu.memory_space<vmem>>) dst(%dma_wait3A_110 : memref<10240xf32, #tpu.memory_space<vmem_shared>>)
    }
    %while3A_90 = arith.constant 1 : i32
    scf.for %while3A_100 = %while3A_88 to %while3A_84 step %while3A_90  : i32 {
      %mul3A_101 = arith.muli %while3A_100, %while3A : i32
      %add3A_102 = arith.addi %mul3A_35, %mul3A_101 : i32
      %dma_wait3A = arith.constant 0 : i32
      %dma_wait3A_103 = arith.constant 0 : i32
      %dma_wait3A_104 = tpu.memref_slice %arg6[%while3A_81, %dma_wait3A, %dma_wait3A_103] : memref<2x158x128xi32, #tpu.memory_space<vmem>> -> memref<1x158x128xi32, #tpu.memory_space<vmem>>
      %dma_wait3A_105 = tpu.memref_squeeze %dma_wait3A_104 : memref<1x158x128xi32, #tpu.memory_space<vmem>> -> memref<158x128xi32, #tpu.memory_space<vmem>>
      %dma_wait3A_106 = arith.constant 0 : i32
      %dma_wait3A_107 = tpu.memref_slice %dma_wait3A_105[%add3A_102, %dma_wait3A_106] : memref<158x128xi32, #tpu.memory_space<vmem>> -> memref<1x128xi32, #tpu.memory_space<vmem>>
      %dma_wait3A_108 = tpu.memref_squeeze %dma_wait3A_107 : memref<1x128xi32, #tpu.memory_space<vmem>> -> memref<128xi32, #tpu.memory_space<vmem>>
      %dma_wait3A_109 = arith.constant 0 : i32
      %dma_wait3A_110 = tpu.memref_slice %arg15[%dma_wait3A_109] : memref<10240xf32, #tpu.memory_space<vmem_shared>> -> memref<10240xf32, #tpu.memory_space<vmem_shared>>
      tpu.wait_indirect_dma semaphore(%arg16 : memref<!tpu.dma_semaphore, #tpu.memory_space<semaphore_mem>>) src(%arg13 : memref<128xf32, #tpu.memory_space<vmem>>) dst(%dma_wait3A_110 : memref<10240xf32, #tpu.memory_space<vmem_shared>>)
    }
    %barrier3A_91 = arith.constant 0 : index
    tpu.barrier barrier_id(%barrier3A_91)
    %mul3A_92 = arith.constant 640 : i32
    %mul3A_93 = arith.muli %arg1, %mul3A_92 : i32
    %mul3A_94 = arith.constant 640 : i32
    %mul3A_95 = arith.muli %arg1, %mul3A_94 : i32
    "tpu.region"() ({
      %run_scoped3A = tpu.sem_alloc : memref<!tpu.dma_semaphore, #tpu.memory_space<semaphore_mem>>
      %dma_start3A_100 = arith.constant 0 : i32
      %dma_start3A_101 = tpu.memref_slice %arg4[%arg0, %mul3A_95, %dma_start3A_100] : memref<2x10240x64xf32, #tpu.memory_space<hbm>> -> memref<1x640x64xf32, #tpu.memory_space<hbm>>
      %dma_start3A_102 = tpu.memref_squeeze %dma_start3A_101 : memref<1x640x64xf32, #tpu.memory_space<hbm>> -> memref<640x64xf32, #tpu.memory_space<hbm>>
      %dma_start3A_103 = arith.constant 0 : i32
      %dma_start3A_104 = tpu.memref_slice %arg10[%mul3A_93, %dma_start3A_103] : memref<10240x64xf32, #tpu.memory_space<vmem_shared>> -> memref<640x64xf32, #tpu.memory_space<vmem_shared>>
      tpu.enqueue_dma source(%dma_start3A_104 : memref<640x64xf32, #tpu.memory_space<vmem_shared>>) target(%dma_start3A_102 : memref<640x64xf32, #tpu.memory_space<hbm>>) target_semaphore(%run_scoped3A : memref<!tpu.dma_semaphore, #tpu.memory_space<semaphore_mem>>)
      %dma_wait3A = arith.constant 0 : i32
      %dma_wait3A_105 = tpu.memref_slice %arg4[%arg0, %mul3A_95, %dma_wait3A] : memref<2x10240x64xf32, #tpu.memory_space<hbm>> -> memref<1x640x64xf32, #tpu.memory_space<hbm>>
      %dma_wait3A_106 = tpu.memref_squeeze %dma_wait3A_105 : memref<1x640x64xf32, #tpu.memory_space<hbm>> -> memref<640x64xf32, #tpu.memory_space<hbm>>
      %dma_wait3A_107 = arith.constant 0 : i32
      %dma_wait3A_108 = tpu.memref_slice %arg10[%mul3A_93, %dma_wait3A_107] : memref<10240x64xf32, #tpu.memory_space<vmem_shared>> -> memref<640x64xf32, #tpu.memory_space<vmem_shared>>
      tpu.wait_dma2 semaphore(%run_scoped3A : memref<!tpu.dma_semaphore, #tpu.memory_space<semaphore_mem>>) src(%dma_wait3A_108 : memref<640x64xf32, #tpu.memory_space<vmem_shared>>) dst(%dma_wait3A_106 : memref<640x64xf32, #tpu.memory_space<hbm>>)
      tpu.yield
    }) : () -> ()
    %mul3A_96 = arith.constant 640 : i32
    %mul3A_97 = arith.muli %arg1, %mul3A_96 : i32
    %mul3A_98 = arith.constant 640 : i32
    %mul3A_99 = arith.muli %arg1, %mul3A_98 : i32
    "tpu.region"() ({
      %run_scoped3A = tpu.sem_alloc : memref<!tpu.dma_semaphore, #tpu.memory_space<semaphore_mem>>
      %dma_start3A_100 = tpu.memref_slice %arg5[%arg0, %mul3A_99] : memref<2x10240xf32, #tpu.memory_space<hbm>> -> memref<1x640xf32, #tpu.memory_space<hbm>>
      %dma_start3A_101 = tpu.memref_squeeze %dma_start3A_100 : memref<1x640xf32, #tpu.memory_space<hbm>> -> memref<640xf32, #tpu.memory_space<hbm>>
      %dma_start3A_102 = tpu.memref_slice %arg15[%mul3A_97] : memref<10240xf32, #tpu.memory_space<vmem_shared>> -> memref<640xf32, #tpu.memory_space<vmem_shared>>
      tpu.enqueue_dma source(%dma_start3A_102 : memref<640xf32, #tpu.memory_space<vmem_shared>>) target(%dma_start3A_101 : memref<640xf32, #tpu.memory_space<hbm>>) target_semaphore(%run_scoped3A : memref<!tpu.dma_semaphore, #tpu.memory_space<semaphore_mem>>)
      %dma_wait3A = tpu.memref_slice %arg5[%arg0, %mul3A_99] : memref<2x10240xf32, #tpu.memory_space<hbm>> -> memref<1x640xf32, #tpu.memory_space<hbm>>
      %dma_wait3A_103 = tpu.memref_squeeze %dma_wait3A : memref<1x640xf32, #tpu.memory_space<hbm>> -> memref<640xf32, #tpu.memory_space<hbm>>
      %dma_wait3A_104 = tpu.memref_slice %arg15[%mul3A_97] : memref<10240xf32, #tpu.memory_space<vmem_shared>> -> memref<640xf32, #tpu.memory_space<vmem_shared>>
      tpu.wait_dma2 semaphore(%run_scoped3A : memref<!tpu.dma_semaphore, #tpu.memory_space<semaphore_mem>>) src(%dma_wait3A_104 : memref<640xf32, #tpu.memory_space<vmem_shared>>) dst(%dma_wait3A_103 : memref<640xf32, #tpu.memory_space<hbm>>)
      tpu.yield
    }) : () -> ()
    return
  }
}

module attributes {stable_mosaic.version = 14 : i64} {
  func.func @tc_layer_relu(%arg0: i32, %arg1: memref<2x1024x64xf32, #tpu.memory_space<vmem>>, %arg2: memref<2x1024x1xf32, #tpu.memory_space<vmem>>, %arg3: memref<2x1024x64xf32, #tpu.memory_space<vmem>>, %arg4: memref<128x128xf32, #tpu.memory_space<vmem>>, %arg5: memref<128x128xf32, #tpu.memory_space<vmem>>, %arg6: memref<1x128xf32, #tpu.memory_space<vmem>>, %arg7: memref<2x1024x64xf32, #tpu.memory_space<vmem>>) attributes {dimension_semantics = [#tpu.dimension_semantics<arbitrary>], iteration_bounds = array<i64: 10>, scalar_prefetch = 0 : i64, scratch_operands = 0 : i64, tpu.core_type = #tpu.core_type<tc>, window_params = [{transform_indices = @transform_0, window_bounds = array<i64: 2, 1024, 64>}, {transform_indices = @transform_1, window_bounds = array<i64: 2, 1024, 1>}, {transform_indices = @transform_2, window_bounds = array<i64: 2, 1024, 64>}, {pipeline_mode = #tpu.pipeline_mode<synchronous>, transform_indices = @transform_3, window_bounds = array<i64: 128, 128>}, {pipeline_mode = #tpu.pipeline_mode<synchronous>, transform_indices = @transform_4, window_bounds = array<i64: 128, 128>}, {pipeline_mode = #tpu.pipeline_mode<synchronous>, transform_indices = @transform_5, window_bounds = array<i64: 1, 128>}, {transform_indices = @transform_6, window_bounds = array<i64: 2, 1024, 64>}]} {
    %get3A = arith.constant 0 : index
    %get3A_0 = arith.constant 0 : index
    %get3A_1 = arith.constant 0 : index
    %get3A_2 = vector.load %arg2[%get3A, %get3A_0, %get3A_1] : memref<2x1024x1xf32, #tpu.memory_space<vmem>>, vector<1x1024x1xf32>
    %get3A_3 = vector.shape_cast %get3A_2 : vector<1x1024x1xf32> to vector<1024x1xf32>
    %get3A_4 = arith.constant 1 : index
    %get3A_5 = arith.constant 0 : index
    %get3A_6 = arith.constant 0 : index
    %get3A_7 = vector.load %arg2[%get3A_4, %get3A_5, %get3A_6] : memref<2x1024x1xf32, #tpu.memory_space<vmem>>, vector<1x1024x1xf32>
    %get3A_8 = vector.shape_cast %get3A_7 : vector<1x1024x1xf32> to vector<1024x1xf32>
    %add3A = arith.addf %get3A_3, %get3A_8 : vector<1024x1xf32>
    %get3A_9 = arith.constant 0 : index
    %get3A_10 = arith.constant 0 : index
    %get3A_11 = arith.constant 0 : index
    %get3A_12 = vector.load %arg1[%get3A_9, %get3A_10, %get3A_11] : memref<2x1024x64xf32, #tpu.memory_space<vmem>>, vector<1x1024x64xf32>
    %get3A_13 = vector.shape_cast %get3A_12 : vector<1x1024x64xf32> to vector<1024x64xf32>
    %get3A_14 = arith.constant 1 : index
    %get3A_15 = arith.constant 0 : index
    %get3A_16 = arith.constant 0 : index
    %get3A_17 = vector.load %arg1[%get3A_14, %get3A_15, %get3A_16] : memref<2x1024x64xf32, #tpu.memory_space<vmem>>, vector<1x1024x64xf32>
    %get3A_18 = vector.shape_cast %get3A_17 : vector<1x1024x64xf32> to vector<1024x64xf32>
    %concatenate3A = tpu.concatenate %get3A_13, %get3A_18 in 1 : vector<1024x64xf32>, vector<1024x64xf32> -> vector<1024x128xf32>
    %max3A = arith.constant 1.000000e+00 : f32
    %max3A_19 = vector.broadcast %max3A : f32 to vector<1024x1xf32>
    %max3A_20 = arith.maximumf %add3A, %max3A_19 : vector<1024x1xf32>
    %div3A = arith.constant 1.000000e+00 : f32
    %div3A_21 = vector.broadcast %div3A : f32 to vector<1024x1xf32>
    %div3A_22 = arith.divf %div3A_21, %max3A_20 : vector<1024x1xf32>
    %mul3A = vector.broadcast %div3A_22 : vector<1024x1xf32> to vector<1024x128xf32>
    %mul3A_23 = arith.mulf %concatenate3A, %mul3A : vector<1024x128xf32>
    %get3A_24 = arith.constant 0 : index
    %get3A_25 = arith.constant 0 : index
    %get3A_26 = arith.constant 0 : index
    %get3A_27 = vector.load %arg3[%get3A_24, %get3A_25, %get3A_26] : memref<2x1024x64xf32, #tpu.memory_space<vmem>>, vector<1x1024x64xf32>
    %get3A_28 = vector.shape_cast %get3A_27 : vector<1x1024x64xf32> to vector<1024x64xf32>
    %get3A_29 = arith.constant 1 : index
    %get3A_30 = arith.constant 0 : index
    %get3A_31 = arith.constant 0 : index
    %get3A_32 = vector.load %arg3[%get3A_29, %get3A_30, %get3A_31] : memref<2x1024x64xf32, #tpu.memory_space<vmem>>, vector<1x1024x64xf32>
    %get3A_33 = vector.shape_cast %get3A_32 : vector<1x1024x64xf32> to vector<1024x64xf32>
    %concatenate3A_34 = tpu.concatenate %get3A_28, %get3A_33 in 1 : vector<1024x64xf32>, vector<1024x64xf32> -> vector<1024x128xf32>
    %get3A_35 = arith.constant 0 : index
    %get3A_36 = arith.constant 0 : index
    %get3A_37 = vector.load %arg4[%get3A_35, %get3A_36] : memref<128x128xf32, #tpu.memory_space<vmem>>, vector<128x128xf32>
    %dot_general3A = arith.constant dense<0.000000e+00> : vector<1024x128xf32>
    %dot_general3A_38 = tpu.matmul %mul3A_23, %get3A_37, %dot_general3A {dimension_numbers = #tpu.dot_dimension_numbers<[1], [0], [0], [1], [0, 0, 1, 1], [], []>, transpose_lhs_hint = false} : vector<1024x128xf32>, vector<128x128xf32>, vector<1024x128xf32> -> vector<1024x128xf32>
    %get3A_39 = arith.constant 0 : index
    %get3A_40 = arith.constant 0 : index
    %get3A_41 = vector.load %arg5[%get3A_39, %get3A_40] : memref<128x128xf32, #tpu.memory_space<vmem>>, vector<128x128xf32>
    %dot_general3A_42 = arith.constant dense<0.000000e+00> : vector<1024x128xf32>
    %dot_general3A_43 = tpu.matmul %concatenate3A_34, %get3A_41, %dot_general3A_42 {dimension_numbers = #tpu.dot_dimension_numbers<[1], [0], [0], [1], [0, 0, 1, 1], [], []>, transpose_lhs_hint = false} : vector<1024x128xf32>, vector<128x128xf32>, vector<1024x128xf32> -> vector<1024x128xf32>
    %add3A_44 = arith.addf %dot_general3A_38, %dot_general3A_43 : vector<1024x128xf32>
    %get3A_45 = arith.constant 0 : index
    %get3A_46 = arith.constant 0 : index
    %get3A_47 = vector.load %arg6[%get3A_45, %get3A_46] : memref<1x128xf32, #tpu.memory_space<vmem>>, vector<1x128xf32>
    %add3A_48 = vector.broadcast %get3A_47 : vector<1x128xf32> to vector<1024x128xf32>
    %add3A_49 = arith.addf %add3A_44, %add3A_48 : vector<1024x128xf32>
    %max3A_50 = arith.constant 0.000000e+00 : f32
    %max3A_51 = vector.broadcast %max3A_50 : f32 to vector<1024x128xf32>
    %max3A_52 = arith.maximumf %add3A_49, %max3A_51 : vector<1024x128xf32>
    %slice3A = vector.extract_strided_slice %max3A_52 {offsets = [0, 0], sizes = [1024, 64], strides = [1, 1]} : vector<1024x128xf32> to vector<1024x64xf32>
    %swap3A = arith.constant 0 : index
    %swap3A_53 = arith.constant 0 : index
    %swap3A_54 = arith.constant 0 : index
    %swap3A_55 = vector.load %arg7[%swap3A, %swap3A_53, %swap3A_54] : memref<2x1024x64xf32, #tpu.memory_space<vmem>>, vector<1x1024x64xf32>
    %swap3A_56 = vector.shape_cast %swap3A_55 : vector<1x1024x64xf32> to vector<1024x64xf32>
    %swap3A_57 = vector.shape_cast %slice3A : vector<1024x64xf32> to vector<1x1024x64xf32>
    tpu.vector_store %arg7[%swap3A, %swap3A_53, %swap3A_54], %swap3A_57 {strides = array<i32>} : memref<2x1024x64xf32, #tpu.memory_space<vmem>>, vector<1x1024x64xf32>,
    %slice3A_58 = vector.extract_strided_slice %max3A_52 {offsets = [0, 64], sizes = [1024, 64], strides = [1, 1]} : vector<1024x128xf32> to vector<1024x64xf32>
    %swap3A_59 = arith.constant 1 : index
    %swap3A_60 = arith.constant 0 : index
    %swap3A_61 = arith.constant 0 : index
    %swap3A_62 = vector.load %arg7[%swap3A_59, %swap3A_60, %swap3A_61] : memref<2x1024x64xf32, #tpu.memory_space<vmem>>, vector<1x1024x64xf32>
    %swap3A_63 = vector.shape_cast %swap3A_62 : vector<1x1024x64xf32> to vector<1024x64xf32>
    %swap3A_64 = vector.shape_cast %slice3A_58 : vector<1024x64xf32> to vector<1x1024x64xf32>
    tpu.vector_store %arg7[%swap3A_59, %swap3A_60, %swap3A_61], %swap3A_64 {strides = array<i32>} : memref<2x1024x64xf32, #tpu.memory_space<vmem>>, vector<1x1024x64xf32>,
    return
  }
  func.func @transform_0(%arg0: i32) -> (i32, i32, i32) {
    %c0_i32 = arith.constant 0 : i32
    %c0_i32_0 = arith.constant 0 : i32
    %c0_i32_1 = arith.constant 0 : i32
    return %c0_i32, %arg0, %c0_i32_0 : i32, i32, i32
  }
  func.func @transform_1(%arg0: i32) -> (i32, i32, i32) {
    %c0_i32 = arith.constant 0 : i32
    %c0_i32_0 = arith.constant 0 : i32
    %c0_i32_1 = arith.constant 0 : i32
    return %c0_i32, %arg0, %c0_i32_0 : i32, i32, i32
  }
  func.func @transform_2(%arg0: i32) -> (i32, i32, i32) {
    %c0_i32 = arith.constant 0 : i32
    %c0_i32_0 = arith.constant 0 : i32
    %c0_i32_1 = arith.constant 0 : i32
    return %c0_i32, %arg0, %c0_i32_0 : i32, i32, i32
  }
  func.func @transform_3(%arg0: i32) -> (i32, i32) {
    %c0_i32 = arith.constant 0 : i32
    %c0_i32_0 = arith.constant 0 : i32
    %c0_i32_1 = arith.constant 0 : i32
    return %c0_i32, %c0_i32_0 : i32, i32
  }
  func.func @transform_4(%arg0: i32) -> (i32, i32) {
    %c0_i32 = arith.constant 0 : i32
    %c0_i32_0 = arith.constant 0 : i32
    %c0_i32_1 = arith.constant 0 : i32
    return %c0_i32, %c0_i32_0 : i32, i32
  }
  func.func @transform_5(%arg0: i32) -> (i32, i32) {
    %c0_i32 = arith.constant 0 : i32
    %c0_i32_0 = arith.constant 0 : i32
    %c0_i32_1 = arith.constant 0 : i32
    return %c0_i32, %c0_i32_0 : i32, i32
  }
  func.func @transform_6(%arg0: i32) -> (i32, i32, i32) {
    %c0_i32 = arith.constant 0 : i32
    %c0_i32_0 = arith.constant 0 : i32
    %c0_i32_1 = arith.constant 0 : i32
    return %c0_i32, %arg0, %c0_i32_0 : i32, i32, i32
  }
}

module attributes {stable_mosaic.version = 14 : i64} {
  func.func @tc_layer(%arg0: i32, %arg1: memref<2x1000x64xf32, #tpu.memory_space<vmem>>, %arg2: memref<2x1000x1xf32, #tpu.memory_space<vmem>>, %arg3: memref<2x1000x64xf32, #tpu.memory_space<vmem>>, %arg4: memref<128x128xf32, #tpu.memory_space<vmem>>, %arg5: memref<128x128xf32, #tpu.memory_space<vmem>>, %arg6: memref<1x128xf32, #tpu.memory_space<vmem>>, %arg7: memref<1000x121xf32, #tpu.memory_space<vmem>>) attributes {dimension_semantics = [#tpu.dimension_semantics<arbitrary>], iteration_bounds = array<i64: 10>, scalar_prefetch = 0 : i64, scratch_operands = 0 : i64, tpu.core_type = #tpu.core_type<tc>, window_params = [{transform_indices = @transform_0, window_bounds = array<i64: 2, 1000, 64>}, {transform_indices = @transform_1, window_bounds = array<i64: 2, 1000, 1>}, {transform_indices = @transform_2, window_bounds = array<i64: 2, 1000, 64>}, {pipeline_mode = #tpu.pipeline_mode<synchronous>, transform_indices = @transform_3, window_bounds = array<i64: 128, 128>}, {pipeline_mode = #tpu.pipeline_mode<synchronous>, transform_indices = @transform_4, window_bounds = array<i64: 128, 128>}, {pipeline_mode = #tpu.pipeline_mode<synchronous>, transform_indices = @transform_5, window_bounds = array<i64: 1, 128>}, {transform_indices = @transform_6, window_bounds = array<i64: 1000, 121>}]} {
    %get3A = arith.constant 0 : index
    %get3A_0 = arith.constant 0 : index
    %get3A_1 = arith.constant 0 : index
    %get3A_2 = vector.load %arg2[%get3A, %get3A_0, %get3A_1] : memref<2x1000x1xf32, #tpu.memory_space<vmem>>, vector<1x1000x1xf32>
    %get3A_3 = vector.shape_cast %get3A_2 : vector<1x1000x1xf32> to vector<1000x1xf32>
    %get3A_4 = arith.constant 1 : index
    %get3A_5 = arith.constant 0 : index
    %get3A_6 = arith.constant 0 : index
    %get3A_7 = vector.load %arg2[%get3A_4, %get3A_5, %get3A_6] : memref<2x1000x1xf32, #tpu.memory_space<vmem>>, vector<1x1000x1xf32>
    %get3A_8 = vector.shape_cast %get3A_7 : vector<1x1000x1xf32> to vector<1000x1xf32>
    %add3A = arith.addf %get3A_3, %get3A_8 : vector<1000x1xf32>
    %get3A_9 = arith.constant 0 : index
    %get3A_10 = arith.constant 0 : index
    %get3A_11 = arith.constant 0 : index
    %get3A_12 = vector.load %arg1[%get3A_9, %get3A_10, %get3A_11] : memref<2x1000x64xf32, #tpu.memory_space<vmem>>, vector<1x1000x64xf32>
    %get3A_13 = vector.shape_cast %get3A_12 : vector<1x1000x64xf32> to vector<1000x64xf32>
    %get3A_14 = arith.constant 1 : index
    %get3A_15 = arith.constant 0 : index
    %get3A_16 = arith.constant 0 : index
    %get3A_17 = vector.load %arg1[%get3A_14, %get3A_15, %get3A_16] : memref<2x1000x64xf32, #tpu.memory_space<vmem>>, vector<1x1000x64xf32>
    %get3A_18 = vector.shape_cast %get3A_17 : vector<1x1000x64xf32> to vector<1000x64xf32>
    %concatenate3A = tpu.concatenate %get3A_13, %get3A_18 in 1 : vector<1000x64xf32>, vector<1000x64xf32> -> vector<1000x128xf32>
    %max3A = arith.constant 1.000000e+00 : f32
    %max3A_19 = vector.broadcast %max3A : f32 to vector<1000x1xf32>
    %max3A_20 = arith.maximumf %add3A, %max3A_19 : vector<1000x1xf32>
    %div3A = arith.constant 1.000000e+00 : f32
    %div3A_21 = vector.broadcast %div3A : f32 to vector<1000x1xf32>
    %div3A_22 = arith.divf %div3A_21, %max3A_20 : vector<1000x1xf32>
    %mul3A = vector.broadcast %div3A_22 : vector<1000x1xf32> to vector<1000x128xf32>
    %mul3A_23 = arith.mulf %concatenate3A, %mul3A : vector<1000x128xf32>
    %get3A_24 = arith.constant 0 : index
    %get3A_25 = arith.constant 0 : index
    %get3A_26 = arith.constant 0 : index
    %get3A_27 = vector.load %arg3[%get3A_24, %get3A_25, %get3A_26] : memref<2x1000x64xf32, #tpu.memory_space<vmem>>, vector<1x1000x64xf32>
    %get3A_28 = vector.shape_cast %get3A_27 : vector<1x1000x64xf32> to vector<1000x64xf32>
    %get3A_29 = arith.constant 1 : index
    %get3A_30 = arith.constant 0 : index
    %get3A_31 = arith.constant 0 : index
    %get3A_32 = vector.load %arg3[%get3A_29, %get3A_30, %get3A_31] : memref<2x1000x64xf32, #tpu.memory_space<vmem>>, vector<1x1000x64xf32>
    %get3A_33 = vector.shape_cast %get3A_32 : vector<1x1000x64xf32> to vector<1000x64xf32>
    %concatenate3A_34 = tpu.concatenate %get3A_28, %get3A_33 in 1 : vector<1000x64xf32>, vector<1000x64xf32> -> vector<1000x128xf32>
    %get3A_35 = arith.constant 0 : index
    %get3A_36 = arith.constant 0 : index
    %get3A_37 = vector.load %arg4[%get3A_35, %get3A_36] : memref<128x128xf32, #tpu.memory_space<vmem>>, vector<128x128xf32>
    %dot_general3A = arith.constant dense<0.000000e+00> : vector<1000x128xf32>
    %dot_general3A_38 = tpu.matmul %mul3A_23, %get3A_37, %dot_general3A {dimension_numbers = #tpu.dot_dimension_numbers<[1], [0], [0], [1], [0, 0, 1, 1], [], []>, transpose_lhs_hint = false} : vector<1000x128xf32>, vector<128x128xf32>, vector<1000x128xf32> -> vector<1000x128xf32>
    %get3A_39 = arith.constant 0 : index
    %get3A_40 = arith.constant 0 : index
    %get3A_41 = vector.load %arg5[%get3A_39, %get3A_40] : memref<128x128xf32, #tpu.memory_space<vmem>>, vector<128x128xf32>
    %dot_general3A_42 = arith.constant dense<0.000000e+00> : vector<1000x128xf32>
    %dot_general3A_43 = tpu.matmul %concatenate3A_34, %get3A_41, %dot_general3A_42 {dimension_numbers = #tpu.dot_dimension_numbers<[1], [0], [0], [1], [0, 0, 1, 1], [], []>, transpose_lhs_hint = false} : vector<1000x128xf32>, vector<128x128xf32>, vector<1000x128xf32> -> vector<1000x128xf32>
    %add3A_44 = arith.addf %dot_general3A_38, %dot_general3A_43 : vector<1000x128xf32>
    %get3A_45 = arith.constant 0 : index
    %get3A_46 = arith.constant 0 : index
    %get3A_47 = vector.load %arg6[%get3A_45, %get3A_46] : memref<1x128xf32, #tpu.memory_space<vmem>>, vector<1x128xf32>
    %add3A_48 = vector.broadcast %get3A_47 : vector<1x128xf32> to vector<1000x128xf32>
    %add3A_49 = arith.addf %add3A_44, %add3A_48 : vector<1000x128xf32>
    %slice3A = vector.extract_strided_slice %add3A_49 {offsets = [0, 0], sizes = [1000, 121], strides = [1, 1]} : vector<1000x128xf32> to vector<1000x121xf32>
    %swap3A = arith.constant 0 : index
    %swap3A_50 = arith.constant 0 : index
    %swap3A_51 = vector.load %arg7[%swap3A, %swap3A_50] : memref<1000x121xf32, #tpu.memory_space<vmem>>, vector<1000x121xf32>
    tpu.vector_store %arg7[%swap3A, %swap3A_50], %slice3A {strides = array<i32>} : memref<1000x121xf32, #tpu.memory_space<vmem>>, vector<1000x121xf32>,
    return
  }
  func.func @transform_0(%arg0: i32) -> (i32, i32, i32) {
    %c0_i32 = arith.constant 0 : i32
    %c0_i32_0 = arith.constant 0 : i32
    %c0_i32_1 = arith.constant 0 : i32
    return %c0_i32, %arg0, %c0_i32_0 : i32, i32, i32
  }
  func.func @transform_1(%arg0: i32) -> (i32, i32, i32) {
    %c0_i32 = arith.constant 0 : i32
    %c0_i32_0 = arith.constant 0 : i32
    %c0_i32_1 = arith.constant 0 : i32
    return %c0_i32, %arg0, %c0_i32_0 : i32, i32, i32
  }
  func.func @transform_2(%arg0: i32) -> (i32, i32, i32) {
    %c0_i32 = arith.constant 0 : i32
    %c0_i32_0 = arith.constant 0 : i32
    %c0_i32_1 = arith.constant 0 : i32
    return %c0_i32, %arg0, %c0_i32_0 : i32, i32, i32
  }
  func.func @transform_3(%arg0: i32) -> (i32, i32) {
    %c0_i32 = arith.constant 0 : i32
    %c0_i32_0 = arith.constant 0 : i32
    %c0_i32_1 = arith.constant 0 : i32
    return %c0_i32, %c0_i32_0 : i32, i32
  }
  func.func @transform_4(%arg0: i32) -> (i32, i32) {
    %c0_i32 = arith.constant 0 : i32
    %c0_i32_0 = arith.constant 0 : i32
    %c0_i32_1 = arith.constant 0 : i32
    return %c0_i32, %c0_i32_0 : i32, i32
  }
  func.func @transform_5(%arg0: i32) -> (i32, i32) {
    %c0_i32 = arith.constant 0 : i32
    %c0_i32_0 = arith.constant 0 : i32
    %c0_i32_1 = arith.constant 0 : i32
    return %c0_i32, %c0_i32_0 : i32, i32
  }
  func.func @transform_6(%arg0: i32) -> (i32, i32) {
    %c0_i32 = arith.constant 0 : i32
    %c0_i32_0 = arith.constant 0 : i32
    return %arg0, %c0_i32 : i32, i32
  }
}

</mosaic_0001>

<sc_bundles>
// kernel: sc_agg.3.cloned.1.call-start
scs
__scs_entry_jumppad:
0x0: {  	(pc) =	sbr.rel $0x88, $3  }
0x1: {  	(tag) =	ssettag $0x0;
	lr =	simm.s32 $0x1  }
0x2: {  	[smem:$0x3F97] =	sst lr;
	_ =	strace $0xD0000000  }
0x3: {  	_ = 	snop  }
0x4: {  	_ = 	snop  }
0x5: {  	_ = 	snop  }
0x6: {  	_ = 	snop  }
0x7: {  	_ = 	snop  }
__scs_overlays_trampoline_lowered:
0x8: {  	[smem:$0x3FA6] =	sst s0  }
0x9: {  	[smem:$0x3FA7] =	sst s1  }
0xa: {  	[smem:$0x3FA8] =	sst s2  }
0xb: {  	[smem:$0x3FA9] =	sst s3  }
0xc: {  	[smem:$0x3FAA] =	sst s4  }
0xd: {  	[smem:$0x3FAB] =	sst s5  }
0xe: {  	[smem:$0x3FAC] =	sst s6  }
0xf: {  	[smem:$0x3FAD] =	sst s7  }
0x10: {  	[smem:$0x3FAE] =	sst s8  }
0x11: {  	[smem:$0x3FAF] =	sst s9;
	s0 =	simm.s32 @!p0 $0x0  }
0x12: {  	s1 =	sld [smem:$0x3F95];
	s0 =	simm.s32 @p0 $0x1  }
0x13: {  	[smem:$0x3FB0] =	sst s0;
	s0 =	simm.s32 @!p1 $0x0  }
0x14: {  	s2 =	sld [smem:$0x3F94];
	s0 =	simm.s32 @p1 $0x1  }
0x15: {  	[smem:$0x3FB1] =	sst s0;
	s0 =	simm.s32 @!p2 $0x0  }
0x16: {  	s3 =	sld [smem:$0x3FDB];
	s0 =	simm.s32 @p2 $0x1  }
0x17: {  	s4 =	simm.s32 $0x1BF5;
	[smem:$0x3FB3] =	sst s0  }
0x18: {  	s0 =	sld [smem:$0x3F96];
	_ =	swait.ge [sflag:s4], $0x0  }
0x19: {  	s7 =	sld [smem:$0x3F97]  }
0x1a: {  	s8 =	sadd.s32 $0xFFFFE003, lr  }
0x1b: {  	s9 =	sadd.s32 $0xFFFFFEF7, lr;
	s5 =	simm.s32 $0xFFFFFFFF;
	p2 =	slt.u32 s8, $0xFFFFF086  }
0x1c: {  	p1 =	slt.u32 s9, $0xF7A;
	s5 =	simm.s32 @!p2 $0x0  }
0x1d: {  	s5 =	simm.s32 @p1 $0x1;
	p0 =	seq.s32 s7, s2  }
0x1e: {  	s7 =	smul.u32 @!p0 $0xF7A, s2;
	p2 =	seq.s32 @!p0 s5, $0x0  }
0x1f: {  	s9 =	smul.u32 $0xF7A, s1;
	s8 =	simm.s32 @!p0 $0x1BF5;
	p2 =	por !p2, p0  }
0x20: {  	[sflag:s8] =	ssyncset.s32 @!p0 $0xFFFFF086;
	s6 =	sadd.s32 @!p0 s3, s7;
	s7 =	simm.s32 @!p0 $0x108  }
0x21: {  	s3 =	sadd.s32 s3, s9;
	s6 =	sadd.s32 @!p0 $0x88, s6;
	s7 =	simm.s32 @p2 $0x1082  }
0x22: {  	[simem:s7], [sflag:s8] =	dma.local @!p0 [hbm:s6], $0xF7A  }
0x23: {  	s9 =	sor.u32 $0xD0000000, s2;
	s6 =	simm.s32 $0x108;
	_ =	swait.ge @!p0 [sflag:s8], $0x0  }
0x24: {  	s3 =	sadd.s32 $0x88, s3;
	s6 =	simm.s32 @!p1 $0x1082;
	[sflag:s4] =	ssyncset.s32 $0xFFFFF086  }
0x25: {  	[simem:s6], [sflag:s4] =	dma.local [hbm:s3], $0xF7A  }
0x26: {  	[smem:$0x3F97] =	sst s1;
	(tag) =	ssettag s2;
	_ =	strace s9  }
0x27: {  	s1 =	sld [smem:$0x3FA7]  }
0x28: {  	s2 =	sld [smem:$0x3FA8]  }
0x29: {  	s4 =	sld [smem:$0x3FAA]  }
0x2a: {  	p0 =	seq.s32 s5, $0x0;
	s5 =	sld [smem:$0x3FAB]  }
0x2b: {  	s6 =	sld [smem:$0x3FAC]  }
0x2c: {  	s7 =	sld [smem:$0x3FAD]  }
0x2d: {  	s3 =	simm.s32 $0x108;
	s8 =	sld [smem:$0x3FAE]  }
0x2e: {  	s3 =	simm.s32 @!p0 $0x1082;
	s9 =	sld [smem:$0x3FAF]  }
0x2f: {  	lr =	sadd.s32 s0, s3;
	s0 =	sld [smem:$0x3FA6]  }
0x30: {  	s3 =	sld [smem:$0x3FA9]  }
0x31: {  	[smem:$0x3FB2] =	sst s10  }
0x32: {  	s10 =	sld [smem:$0x3FB0];
	_ =	sdelay $0x3  }
0x33: {  	p0 =	seq.s32 s10, $0x1;
	s10 =	sld [smem:$0x3FB2];
	_ =	sdelay $0x3  }
0x34: {  	[smem:$0x3FB2] =	sst s10  }
0x35: {  	s10 =	sld [smem:$0x3FB1];
	_ =	sdelay $0x3  }
0x36: {  	p1 =	seq.s32 s10, $0x1;
	s10 =	sld [smem:$0x3FB2];
	_ =	sdelay $0x3  }
0x37: {  	[smem:$0x3FB2] =	sst s10  }
0x38: {  	s10 =	sld [smem:$0x3FB3]  }
0x39: {  	_ = 	snop;
	(pc) =	sbr.ind lr, $3  }
0x3a: {  	_ = 	snop  }
0x3b: {  	_ = 	snop  }
0x3c: {  	p2 =	seq.s32 s10, $0x1;
	s10 =	sld [smem:$0x3FB2]  }
0x3d: {  	_ =	shalt  }
0x3e: {  	_ =	shalt  }
0x3f: {  	_ =	shalt  }
0x40: {  	_ =	shalt  }
0x41: {  	_ =	shalt  }
0x42: {  	_ =	shalt  }
0x43: {  	_ =	shalt  }
0x44: {  	_ =	shalt  }
0x45: {  	_ =	shalt  }
0x46: {  	_ =	shalt  }
0x47: {  	_ =	shalt  }
0x48: {  	_ =	shalt  }
0x49: {  	_ =	shalt  }
0x4a: {  	_ =	shalt  }
0x4b: {  	_ =	shalt  }
0x4c: {  	_ =	shalt  }
0x4d: {  	_ =	shalt  }
0x4e: {  	_ =	shalt  }
0x4f: {  	_ =	shalt  }
0x50: {  	_ =	shalt  }
0x51: {  	_ =	shalt  }
0x52: {  	_ =	shalt  }
0x53: {  	_ =	shalt  }
0x54: {  	_ =	shalt  }
0x55: {  	_ =	shalt  }
0x56: {  	_ =	shalt  }
0x57: {  	_ =	shalt  }
0x58: {  	_ =	shalt  }
0x59: {  	_ =	shalt  }
0x5a: {  	_ =	shalt  }
0x5b: {  	_ =	shalt  }
0x5c: {  	_ =	shalt  }
0x5d: {  	_ =	shalt  }
0x5e: {  	_ =	shalt  }
0x5f: {  	_ =	shalt  }
0x60: {  	_ =	shalt  }
0x61: {  	_ =	shalt  }
0x62: {  	_ =	shalt  }
0x63: {  	_ =	shalt  }
0x64: {  	_ =	shalt  }
0x65: {  	_ =	shalt  }
0x66: {  	_ =	shalt  }
0x67: {  	_ =	shalt  }
0x68: {  	_ =	shalt  }
0x69: {  	_ =	shalt  }
0x6a: {  	_ =	shalt  }
0x6b: {  	_ =	shalt  }
0x6c: {  	_ =	shalt  }
0x6d: {  	_ =	shalt  }
0x6e: {  	_ =	shalt  }
0x6f: {  	_ =	shalt  }
0x70: {  	_ =	shalt  }
0x71: {  	_ =	shalt  }
0x72: {  	_ =	shalt  }
0x73: {  	_ =	shalt  }
0x74: {  	_ =	shalt  }
0x75: {  	_ =	shalt  }
0x76: {  	_ =	shalt  }
0x77: {  	_ =	shalt  }
0x78: {  	_ =	shalt  }
0x79: {  	_ =	shalt  }
0x7a: {  	_ =	shalt  }
0x7b: {  	_ =	shalt  }
0x7c: {  	_ =	shalt  }
0x7d: {  	_ =	shalt  }
0x7e: {  	_ =	shalt  }
0x7f: {  	_ =	shalt  }
0x80: {  	_ =	shalt  }
0x81: {  	_ =	shalt  }
0x82: {  	_ =	shalt  }
0x83: {  	_ =	shalt  }
0x84: {  	_ =	shalt  }
0x85: {  	_ =	shalt  }
0x86: {  	_ =	shalt  }
0x87: {  	_ =	shalt  }
.Lfunc_end0:
.L_simem_size_0:
called_computation.1_lowered:
.L_overlay_start_0:
0x88: {  	s2 =	sld [smem:$0x3FD9]  }
0x89: {  	s3 =	sld [smem:$0x3FFE];
	_ =	sdelay $0x1  }
0x8a: {  	s1 =	srdreg.scid  }
0x8b: {  	s0 =	sand.u32 $0x1, s1  }
0x8c: {  	s17 =	sshll.u32 s0, $0xA;
	s2 =	sadd.s32 s3, s2  }
0x8d: {  	s2 =	sadd.s32 s2, s17  }
0x8e: {  	[smem:$0x3FBE] =	sst s2  }
0x8f: {  	_ = 	snop  }
0x90: {  	s2 =	sld [smem:$0x3FD0];
	(tm) =	ssettm $0x1  }
0x91: {  	s18 =	sld [smem:$0x3FFB];
	_ =	sdelay $0x3  }
0x92: {  	_ =	strace s18  }
0x93: {  	s3 =	sld [smem:$0x3FFC];
	_ =	sdelay $0x3  }
0x94: {  	_ =	strace s3  }
0x95: {  	s3 =	sld [smem:$0x3FFD];
	_ =	sdelay $0x3  }
0x96: {  	_ =	strace s3  }
0x97: {  	_ =	strace $0x8FFFFFFF  }
0x98: {  	s19 =	sld [smem:$0x3FDB];
	_ =	sdelay $0x1  }
0x99: {  	s4 =	simm.s32 $_scs_section_size  }
0x9a: {  	s5 =	simm.s32 $_size__tile_overlayer_lowered;
	s6 =	simm.s32 $_tile_overlayer_lowered  }
0x9b: {  	s22 =	simm.s32 $0x1BFF;
	s21 =	sshll.u32 s6, $0x1;
	s3 =	sadd.s32 s4, s19  }
0x9c: {  	s7 =	simm.s32 $0x0;
	s20 =	sshll.u32 s5, $0x1;
	s5 =	sadd.s32 s21, s3  }
0x9d: {  	[timem:s7], [sflag:s22] =	dma.local [hbm:s5], s20  }
0x9e: {  	_ =	swait.ge [sflag:s22], s20  }
0x9f: {  	s4 =	ssub.s32 $0x0, s20;
	[sflag:s22] =	ssyncset.done $0x0  }
0xa0: {  	[sflag:s22] =	ssyncadd.s32 s4;
	_ =	sdelay $0x1  }
0xa1: {  	s23 =	simm.s32 $0x1B8B  }
0xa2: {  	_ =	swait.ge [sflag:s23], $0x1  }
0xa3: {  	[sflag:s23] =	ssyncset.done $0x0  }
0xa4: {  	s25 =	simm.s32 $0x1B8E;
	s24 =	sld [smem:$0x3FFE];
	[sflag:s23] =	ssyncadd.s32 $0xFFFFFFFF  }
0xa5: {  	s26 =	simm.s32 $execute0_lowered;
	[smem:$0x3FD2] =	sst s25  }
0xa6: {  	s5 =	sshll.u32 s26, $0x1;
	_ =	strace $0x80000049;
	[dreg:$0x1] =	wrdreg $0xFFFFFFFF  }
0xa7: {  	s28 =	simm.s32 $_size_execute0_lowered;
	s3 =	sadd.s32 s3, s5;
	[dreg:$0x0] =	wrdreg $0x0  }
0xa8: {  	s5 =	sshll.u32 s28, $0x1;
	[dreg:$0x2] =	wrdreg s3  }
0xa9: {  	[dreg:$0x3] =	wrdreg s5  }
0xaa: {  	[dreg:$0x4] =	wrdreg $0xC0  }
0xab: {  	_ =	task [dreg:s7], $0x5FFFF  }
0xac: {  	[dreg:$0x1] =	wrdreg $0xFFFFFFFF  }
0xad: {  	[dreg:$0x0] =	wrdreg $0x60  }
0xae: {  	[dreg:$0x2] =	wrdreg s24  }
0xaf: {  	[dreg:$0x3] =	wrdreg s2  }
0xb0: {  	[dreg:$0x4] =	wrdreg $0xFE000  }
0xb1: {  	[dreg:$0x5] =	wrdreg $0x9  }
0xb2: {  	_ =	task.clear_ibuf [dreg:s7], $0x6FFFF;
	_ =	strace $0x90000049  }
0xb3: {  	s29 =	simm.s32 $0x9;
	_ =	strace $0x8000004B  }
0xb4: {  	_ =	swait.ge [sflag:s29], $0x1  }
0xb5: {  	[sflag:s29] =	ssyncadd.s32 $0xFFFFFFFF  }
0xb6: {  	_ =	strace $0x9000004B  }
0xb7: {  	_ =	sfence  }
0xb8: {  	s30 =	sld [smem:$0x0];
	_ =	sdelay $0x2  }
0xb9: {  	s31 =	sshll.u32 s1, $0xD;
	s1 =	sshrl.u32 s1, $0x2  }
0xba: {  	s3 =	sand.u32 $0x4000, s31;
	s1 =	sadd.s32 s1, s30  }
0xbb: {  	s0 =	sor.u32 s3, s0;
	s1 =	sshll.u32 s1, $0x11  }
0xbc: {  	s0 =	sor.u32 s1, s0  }
0xbd: {  	s0 =	sadd.s32 $0x8F2B, s0  }
0xbe: {  	[sflag:s0] =	ssyncadd.remote.s32 $0x1  }
0xbf: {  	_ =	sfence.sel $0xFFFF  }
0xc0: {  	[dreg:$0x0] =	wrdreg $0xFFFFFFFF;
	(pc) =	sbr.abs _section_cstart, $3  }
0xc1: {  	[dreg:$0x1] =	wrdreg $0xFFFFFFFF  }
0xc2: {  	_ =	task.clear_ibuf [dreg:s7], $0x2FFFF;
	_ =	strace $0x9FFFFFFF  }
0xc3: {  	(tm) =	ssettm $0x7FFFFFFF  }
tec
execute0_lowered:
.L_overlay_start_1:
0x0: {  	(tag) =	ssettag $0x1  }
0x1: {  	s4 =	rddreg [dreg:$0x0]  }
0x2: {  	s5 =	rddreg [dreg:$0x1]  }
0x3: {  	s1 =	rddreg [dreg:$0x2];
	s2 =	srdreg.scid  }
0x4: {  	s0 =	rddreg [dreg:$0x3];
	s3 =	simm.s32 $0x0;
	s14 =	simm.s32 $0xDE00  }
0x5: {  	s15 =	simm.s32 $0x80;
	s16 =	simm.s32 $0x9E00;
	s17 =	simm.s32 $0xBE00  }
0x6: {  	s18 =	simm.s32 $0x1;
	s19 =	simm.s32 $0x2;
	s6 =	sand.u32 $0x1, s2  }
0x7: {  	s20 =	simm.s32 $0x9D00;
	s2 =	stileid.u32;
	s7 =	smul.u32 $0xA0000, s6  }
0x8: {  	s21 =	simm.s32 $0x9D80;
	s22 =	simm.s32 $0x0;
	s8 =	smul.u32 $0xA000, s2  }
0x9: {  	[smem:$0x7FF] =	sst s3;
	s29 =	smul.u32 $0x28000, s2;
	s6 =	ssub.s32 $0x2, s6  }
0xa: {  	_ =	strace $0x8000004A;
	s11 =	smul.u32 $0x13C0, s2;
	s30 =	sshrl.u32 s6, $0x1  }
0xb: {  	s9 =	sshrl.u32 s7, $0x3;
	s7 =	sadd.s32 s8, s7;
	s31 =	sshrl.u32 s29, $0x2  }
0xc: {  	s13 =	ssub.s32 s6, s30;
	s10 =	sadd.s32 s9, s4;
	s7 =	sshrl.u32 s7, $0x3  }
0xd: {  	s9 =	sadd.s32 s31, s1;
	s12 =	sadd.s32 s7, s4;
	s4 =	sadd.s32 s5, s11  }
0xe: {  	s5 =	sadd.s32 s8, s1;
	s6 =	sadd.s32 $0x2000, s9;
	s7 =	sadd.s32 $0x4000, s9  }
0xf: {  	s8 =	sadd.s32 $0x6000, s9;
	s9 =	sadd.s32 $0x8000, s9;
	s10 =	sadd.s32 $0x52600, s10  }
0x10: {  	v0 =	vimm.f32 $0.0e+00;
	s11 =	sadd.s32 $0x7A600, s12;
	s12 =	smax.u32 s13, $0x1;
	s13 =	simm.s32 $0x3  }
.LBB2_1:
0x11: {  	[tilespmem:s3], [sflag:$0x3] =	stream.linear.gather [hbm4b:s4+s3], $0x9E00, $0x38;
	[tilespmem:$0x19E00] =	vst v63  }
0x12: {  	_ =	swait.ge [sflag:s13], $0x9E00  }
0x13: {  	[sflag:s13] =	ssyncset.done $0x0  }
0x14: {  	s24 =	simm.s32 $0x100;
	s23 =	simm.s32 $0x0;
	[sflag:s13] =	ssyncadd.s32 $0xFFFF6200  }
.LBB2_2:
0x15: {  	p0 =	sne.s32 s24, $0x7F00;
	[tilespmem:s23+$0xDE30] =	vst v0;
	s25 =	smov.u32 s24;
	s24 =	sadd.s32 $0x100, s24  }
.Ltmp0:
0x16: {  	[tilespmem:s23+$0xDE20] =	vst v0;
	(pc) =	sbr.rel @p0 .LBB2_2-.Ltmp0, $3  }
0x17: {  	[tilespmem:s23+$0xDE00] =	vst v0  }
0x18: {  	[tilespmem:s23+$0xDE10] =	vst v0;
	_ =	sdelay $0x1  }
0x19: {  	s23 =	sshra.s32 s25, $0x2  }
0x1a: {  	[tilespmem:s23+$0xDE30] =	vst v0  }
0x1b: {  	[tilespmem:s23+$0xDE20] =	vst v0  }
0x1c: {  	[tilespmem:s23+$0xDE00] =	vst v0  }
0x1d: {  	[tilespmem:s23+$0xDE10] =	vst v0  }
0x1e: {  	[spmem:s5] =	stream.linear.scatter [tilespmem:s14], [sflag:$0x3], $0x2000, $0x38;
	[tilespmem:$0x19E00] =	vst v63  }
0x1f: {  	_ =	swait.ge [sflag:s13], $0x2000  }
0x20: {  	[sflag:s13] =	ssyncset.done $0x0  }
0x21: {  	[sflag:s13] =	ssyncadd.s32 $0xFFFFE000  }
0x22: {  	[spmem:s6] =	stream.linear.scatter [tilespmem:s14], [sflag:$0x3], $0x2000, $0x38;
	[tilespmem:$0x19E00] =	vst v63  }
0x23: {  	_ =	swait.ge [sflag:s13], $0x2000  }
0x24: {  	[sflag:s13] =	ssyncset.done $0x0  }
0x25: {  	[sflag:s13] =	ssyncadd.s32 $0xFFFFE000  }
0x26: {  	[spmem:s7] =	stream.linear.scatter [tilespmem:s14], [sflag:$0x3], $0x2000, $0x38;
	[tilespmem:$0x19E00] =	vst v63  }
0x27: {  	_ =	swait.ge [sflag:s13], $0x2000  }
0x28: {  	[sflag:s13] =	ssyncset.done $0x0  }
0x29: {  	[sflag:s13] =	ssyncadd.s32 $0xFFFFE000  }
0x2a: {  	[spmem:s8] =	stream.linear.scatter [tilespmem:s14], [sflag:$0x3], $0x2000, $0x38;
	[tilespmem:$0x19E00] =	vst v63  }
0x2b: {  	_ =	swait.ge [sflag:s13], $0x2000  }
0x2c: {  	[sflag:s13] =	ssyncset.done $0x0  }
0x2d: {  	[sflag:s13] =	ssyncadd.s32 $0xFFFFE000  }
0x2e: {  	[spmem:s9] =	stream.linear.scatter [tilespmem:s14], [sflag:$0x3], $0x2000, $0x38;
	[tilespmem:$0x19E00] =	vst v63  }
0x2f: {  	_ =	swait.ge [sflag:s13], $0x2000  }
0x30: {  	[sflag:s13] =	ssyncset.done $0x0  }
0x31: {  	[sflag:s13] =	ssyncadd.s32 $0xFFFFE000  }
0x32: {  	[bflag:$0x0] =	sbarrier.arrive $0xFFFF  }
0x33: {  	[tilespmem:s16], [sflag:$0x1] =	stream.indirect.gather [hbm4b:s10+s15], $0x40, s3, s15, $0xb8;
	[tilespmem:$0x19E00] =	vst v63  }
0x34: {  	_ = 	snop  }
0x35: {  	[tilespmem:s17], [sflag:$0x2] =	stream.indirect.gather [hbm4b:s10+s15], $0x40, s15, s15, $0xb8;
	[tilespmem:$0x19E00] =	vst v63  }
0x36: {  	_ =	swait.ge [sflag:s18], $0x2000  }
0x37: {  	[sflag:s18] =	ssyncset.done $0x0  }
0x38: {  	s29 =	simm.s32 $0x4F00;
	[sflag:s18] =	ssyncadd.s32 $0xFFFFE000  }
0x39: {  	[spmem:s1] =	stream.indirect.scatter.add.f32 [tilespmem:s16], [sflag:$0x3], $0x40, s29, s15, $0xb8;
	[tilespmem:$0x19E00] =	vst v63  }
0x3a: {  	_ =	swait.ge [sflag:s13], $0x2000  }
0x3b: {  	[sflag:s13] =	ssyncset.done $0x0  }
0x3c: {  	s30 =	simm.s32 $0x100;
	[sflag:s13] =	ssyncadd.s32 $0xFFFFE000  }
0x3d: {  	[tilespmem:s16], [sflag:$0x1] =	stream.indirect.gather [hbm4b:s10+s15], $0x40, s30, s15, $0xb8;
	[tilespmem:$0x19E00] =	vst v63  }
0x3e: {  	_ =	swait.ge [sflag:s19], $0x2000  }
0x3f: {  	[sflag:s19] =	ssyncset.done $0x0  }
0x40: {  	s31 =	simm.s32 $0x4F80;
	[sflag:s19] =	ssyncadd.s32 $0xFFFFE000  }
0x41: {  	[spmem:s1] =	stream.indirect.scatter.add.f32 [tilespmem:s17], [sflag:$0x3], $0x40, s31, s15, $0xb8;
	[tilespmem:$0x19E00] =	vst v63  }
0x42: {  	_ =	swait.ge [sflag:s13], $0x2000  }
0x43: {  	[sflag:s13] =	ssyncset.done $0x0  }
0x44: {  	s23 =	simm.s32 $0x800;
	s24 =	simm.s32 $0x180;
	[sflag:s13] =	ssyncadd.s32 $0xFFFFE000  }
.LBB2_4:
0x45: {  	[tilespmem:s17], [sflag:$0x2] =	stream.indirect.gather [hbm4b:s10+s15], $0x40, s24, s15, $0xb8;
	[tilespmem:$0x19E00] =	vst v63  }
0x46: {  	s24 =	smov.u32 s23  }
0x47: {  	p0 =	sne.s32 s23, $0x13800;
	s23 =	sadd.s32 $0x400, s23;
	_ =	swait.ge [sflag:s18], $0x2000  }
0x48: {  	s24 =	sshra.s32 s24, $0x2;
	[sflag:s18] =	ssyncset.done $0x0  }
0x49: {  	s25 =	sadd.s32 $0x4E00, s24;
	[sflag:s18] =	ssyncadd.s32 $0xFFFFE000  }
0x4a: {  	[spmem:s1] =	stream.indirect.scatter.add.f32 [tilespmem:s16], [sflag:$0x3], $0x40, s25, s15, $0xb8;
	[tilespmem:$0x19E00] =	vst v63  }
0x4b: {  	_ =	swait.ge [sflag:s13], $0x2000  }
0x4c: {  	[sflag:s13] =	ssyncset.done $0x0  }
0x4d: {  	[sflag:s13] =	ssyncadd.s32 $0xFFFFE000  }
0x4e: {  	[tilespmem:s16], [sflag:$0x1] =	stream.indirect.gather [hbm4b:s10+s15], $0x40, s24, s15, $0xb8;
	[tilespmem:$0x19E00] =	vst v63  }
0x4f: {  	_ =	swait.ge [sflag:s19], $0x2000  }
0x50: {  	[sflag:s19] =	ssyncset.done $0x0  }
.Ltmp1:
0x51: {  	s25 =	sadd.s32 $0x4E80, s24;
	[sflag:s19] =	ssyncadd.s32 $0xFFFFE000;
	(pc) =	sbr.rel @p0 .LBB2_4-.Ltmp1, $4  }
0x52: {  	[spmem:s1] =	stream.indirect.scatter.add.f32 [tilespmem:s17], [sflag:$0x3], $0x40, s25, s15, $0xb8;
	[tilespmem:$0x19E00] =	vst v63  }
0x53: {  	_ =	swait.ge [sflag:s13], $0x2000  }
0x54: {  	[sflag:s13] =	ssyncset.done $0x0  }
0x55: {  	s24 =	sadd.s32 $0x80, s24;
	[sflag:s13] =	ssyncadd.s32 $0xFFFFE000  }
0x56: {  	[tilespmem:s17], [sflag:$0x2] =	stream.indirect.gather [hbm4b:s10+s15], $0x40, s24, s15, $0xb8;
	[tilespmem:$0x19E00] =	vst v63  }
0x57: {  	_ =	swait.ge [sflag:s18], $0x2000  }
0x58: {  	[sflag:s18] =	ssyncset.done $0x0  }
0x59: {  	[sflag:s18] =	ssyncadd.s32 $0xFFFFE000  }
0x5a: {  	[spmem:s1] =	stream.indirect.scatter.add.f32 [tilespmem:s16], [sflag:$0x3], $0x40, s20, s15, $0xb8;
	[tilespmem:$0x19E00] =	vst v63  }
0x5b: {  	_ =	swait.ge [sflag:s13], $0x2000  }
0x5c: {  	[sflag:s13] =	ssyncset.done $0x0  }
0x5d: {  	[sflag:s13] =	ssyncadd.s32 $0xFFFFE000  }
0x5e: {  	_ =	swait.ge [sflag:s19], $0x2000  }
0x5f: {  	[sflag:s19] =	ssyncset.done $0x0  }
0x60: {  	[sflag:s19] =	ssyncadd.s32 $0xFFFFE000  }
0x61: {  	[spmem:s1] =	stream.indirect.scatter.add.f32 [tilespmem:s17], [sflag:$0x3], $0x40, s21, s15, $0xb8;
	[tilespmem:$0x19E00] =	vst v63  }
0x62: {  	_ =	swait.ge [sflag:s13], $0x2000  }
0x63: {  	s23 =	sshll.u32 s2, $0x6;
	s22 =	sadd.s32 $0x1, s22;
	[sflag:s13] =	ssyncset.done $0x0  }
0x64: {  	s31 =	sshrl.u32 s5, $0x3;
	p0 =	sne.s32 s22, s12;
	[sflag:s13] =	ssyncadd.s32 $0xFFFFE000  }
.Ltmp2:
0x65: {  	s23 =	sor.u32 $0x1C03, s23;
	[bflag:$0x0] =	sbarrier.arrive $0xFFFF;
	(pc) =	sbr.rel @p0 .LBB2_1-.Ltmp2, $4  }
0x66: {  	[hbm:s11], [sflag:s23] =	dma.local [spmem:s31], $0x1400  }
0x67: {  	_ =	swait.ge [sflag:s13], $0x1400  }
0x68: {  	[sflag:s13] =	ssyncset.done $0x0  }
0x69: {  	[sflag:s13] =	ssyncadd.s32 $0xFFFFEC00  }
0x6a: {  	_ =	sfence.sel $0x180000  }
0x6b: {  	[bflag:$0x0] =	sbarrier.arrive $0xFFFF  }
0x6c: {  	p0 =	sne.s32 s2, $0x0;
	_ =	strace $0x9000004A  }
0x6d: {  	s0 =	sadd.s32 @!p0 $0x100000, s0;
	[bflag:$0x2] =	sbarrier.arrive $0xFFFF  }
0x6e: {  	[sflag:s0] =	ssyncadd.tile.s32 @!p0 $0x1;
	_ =	shalt  }
.Lfunc_end2:
_tile_overlayer_lowered:
.L_overlay_start_2:
0x6f: {  	(tag) =	ssettag $0x2  }
0x70: {  	s0 =	rddreg [dreg:$0x0];
	s2 =	stileid.u32  }
0x71: {  	s1 =	rddreg [dreg:$0x1];
	p0 =	sne.s32 s2, $0x0  }
0x72: {  	s3 =	rddreg [dreg:$0x2];
	[bflag:$0x3] =	sbarrier.arrive $0xFFFF;
	s2 =	simm.s32 @!p0 $0x1C03  }
0x73: {  	[timem:s3], [sflag:s2] =	dma.local @!p0 [hbm:s0], s1  }
0x74: {  	s0 =	simm.s32 @!p0 $0x3  }
0x75: {  	_ =	swait.ge @!p0 [sflag:s0], s1  }
0x76: {  	s1 =	ssub.s32 @!p0 $0x0, s1;
	[sflag:s0] =	ssyncset.done @!p0 $0x0  }
0x77: {  	[sflag:s0] =	ssyncadd.s32 @!p0 s1  }
0x78: {  	[bflag:$0x3] =	sbarrier.arrive $0xFFFF  }
0x79: {  	_ =	shalt  }

// kernel: sc_agg_cnt.3.cloned.1.call-start
scs
__scs_entry_jumppad:
0x0: {  	(pc) =	sbr.rel $0x88, $3  }
0x1: {  	(tag) =	ssettag $0x0;
	lr =	simm.s32 $0x1  }
0x2: {  	[smem:$0x3F97] =	sst lr;
	_ =	strace $0xD0000000  }
0x3: {  	_ = 	snop  }
0x4: {  	_ = 	snop  }
0x5: {  	_ = 	snop  }
0x6: {  	_ = 	snop  }
0x7: {  	_ = 	snop  }
__scs_overlays_trampoline_lowered:
0x8: {  	[smem:$0x3FA6] =	sst s0  }
0x9: {  	[smem:$0x3FA7] =	sst s1  }
0xa: {  	[smem:$0x3FA8] =	sst s2  }
0xb: {  	[smem:$0x3FA9] =	sst s3  }
0xc: {  	[smem:$0x3FAA] =	sst s4  }
0xd: {  	[smem:$0x3FAB] =	sst s5  }
0xe: {  	[smem:$0x3FAC] =	sst s6  }
0xf: {  	[smem:$0x3FAD] =	sst s7  }
0x10: {  	[smem:$0x3FAE] =	sst s8  }
0x11: {  	[smem:$0x3FAF] =	sst s9;
	s0 =	simm.s32 @!p0 $0x0  }
0x12: {  	s1 =	sld [smem:$0x3F95];
	s0 =	simm.s32 @p0 $0x1  }
0x13: {  	[smem:$0x3FB0] =	sst s0;
	s0 =	simm.s32 @!p1 $0x0  }
0x14: {  	s2 =	sld [smem:$0x3F94];
	s0 =	simm.s32 @p1 $0x1  }
0x15: {  	[smem:$0x3FB1] =	sst s0;
	s0 =	simm.s32 @!p2 $0x0  }
0x16: {  	s3 =	sld [smem:$0x3FDB];
	s0 =	simm.s32 @p2 $0x1  }
0x17: {  	s4 =	simm.s32 $0x1BF5;
	[smem:$0x3FB3] =	sst s0  }
0x18: {  	s0 =	sld [smem:$0x3F96];
	_ =	swait.ge [sflag:s4], $0x0  }
0x19: {  	s7 =	sld [smem:$0x3F97]  }
0x1a: {  	s8 =	sadd.s32 $0xFFFFE003, lr  }
0x1b: {  	s9 =	sadd.s32 $0xFFFFFEF7, lr;
	s5 =	simm.s32 $0xFFFFFFFF;
	p2 =	slt.u32 s8, $0xFFFFF086  }
0x1c: {  	p1 =	slt.u32 s9, $0xF7A;
	s5 =	simm.s32 @!p2 $0x0  }
0x1d: {  	s5 =	simm.s32 @p1 $0x1;
	p0 =	seq.s32 s7, s2  }
0x1e: {  	s7 =	smul.u32 @!p0 $0xF7A, s2;
	p2 =	seq.s32 @!p0 s5, $0x0  }
0x1f: {  	s9 =	smul.u32 $0xF7A, s1;
	s8 =	simm.s32 @!p0 $0x1BF5;
	p2 =	por !p2, p0  }
0x20: {  	[sflag:s8] =	ssyncset.s32 @!p0 $0xFFFFF086;
	s6 =	sadd.s32 @!p0 s3, s7;
	s7 =	simm.s32 @!p0 $0x108  }
0x21: {  	s3 =	sadd.s32 s3, s9;
	s6 =	sadd.s32 @!p0 $0x88, s6;
	s7 =	simm.s32 @p2 $0x1082  }
0x22: {  	[simem:s7], [sflag:s8] =	dma.local @!p0 [hbm:s6], $0xF7A  }
0x23: {  	s9 =	sor.u32 $0xD0000000, s2;
	s6 =	simm.s32 $0x108;
	_ =	swait.ge @!p0 [sflag:s8], $0x0  }
0x24: {  	s3 =	sadd.s32 $0x88, s3;
	s6 =	simm.s32 @!p1 $0x1082;
	[sflag:s4] =	ssyncset.s32 $0xFFFFF086  }
0x25: {  	[simem:s6], [sflag:s4] =	dma.local [hbm:s3], $0xF7A  }
0x26: {  	[smem:$0x3F97] =	sst s1;
	(tag) =	ssettag s2;
	_ =	strace s9  }
0x27: {  	s1 =	sld [smem:$0x3FA7]  }
0x28: {  	s2 =	sld [smem:$0x3FA8]  }
0x29: {  	s4 =	sld [smem:$0x3FAA]  }
0x2a: {  	p0 =	seq.s32 s5, $0x0;
	s5 =	sld [smem:$0x3FAB]  }
0x2b: {  	s6 =	sld [smem:$0x3FAC]  }
0x2c: {  	s7 =	sld [smem:$0x3FAD]  }
0x2d: {  	s3 =	simm.s32 $0x108;
	s8 =	sld [smem:$0x3FAE]  }
0x2e: {  	s3 =	simm.s32 @!p0 $0x1082;
	s9 =	sld [smem:$0x3FAF]  }
0x2f: {  	lr =	sadd.s32 s0, s3;
	s0 =	sld [smem:$0x3FA6]  }
0x30: {  	s3 =	sld [smem:$0x3FA9]  }
0x31: {  	[smem:$0x3FB2] =	sst s10  }
0x32: {  	s10 =	sld [smem:$0x3FB0];
	_ =	sdelay $0x3  }
0x33: {  	p0 =	seq.s32 s10, $0x1;
	s10 =	sld [smem:$0x3FB2];
	_ =	sdelay $0x3  }
0x34: {  	[smem:$0x3FB2] =	sst s10  }
0x35: {  	s10 =	sld [smem:$0x3FB1];
	_ =	sdelay $0x3  }
0x36: {  	p1 =	seq.s32 s10, $0x1;
	s10 =	sld [smem:$0x3FB2];
	_ =	sdelay $0x3  }
0x37: {  	[smem:$0x3FB2] =	sst s10  }
0x38: {  	s10 =	sld [smem:$0x3FB3]  }
0x39: {  	_ = 	snop;
	(pc) =	sbr.ind lr, $3  }
0x3a: {  	_ = 	snop  }
0x3b: {  	_ = 	snop  }
0x3c: {  	p2 =	seq.s32 s10, $0x1;
	s10 =	sld [smem:$0x3FB2]  }
0x3d: {  	_ =	shalt  }
0x3e: {  	_ =	shalt  }
0x3f: {  	_ =	shalt  }
0x40: {  	_ =	shalt  }
0x41: {  	_ =	shalt  }
0x42: {  	_ =	shalt  }
0x43: {  	_ =	shalt  }
0x44: {  	_ =	shalt  }
0x45: {  	_ =	shalt  }
0x46: {  	_ =	shalt  }
0x47: {  	_ =	shalt  }
0x48: {  	_ =	shalt  }
0x49: {  	_ =	shalt  }
0x4a: {  	_ =	shalt  }
0x4b: {  	_ =	shalt  }
0x4c: {  	_ =	shalt  }
0x4d: {  	_ =	shalt  }
0x4e: {  	_ =	shalt  }
0x4f: {  	_ =	shalt  }
0x50: {  	_ =	shalt  }
0x51: {  	_ =	shalt  }
0x52: {  	_ =	shalt  }
0x53: {  	_ =	shalt  }
0x54: {  	_ =	shalt  }
0x55: {  	_ =	shalt  }
0x56: {  	_ =	shalt  }
0x57: {  	_ =	shalt  }
0x58: {  	_ =	shalt  }
0x59: {  	_ =	shalt  }
0x5a: {  	_ =	shalt  }
0x5b: {  	_ =	shalt  }
0x5c: {  	_ =	shalt  }
0x5d: {  	_ =	shalt  }
0x5e: {  	_ =	shalt  }
0x5f: {  	_ =	shalt  }
0x60: {  	_ =	shalt  }
0x61: {  	_ =	shalt  }
0x62: {  	_ =	shalt  }
0x63: {  	_ =	shalt  }
0x64: {  	_ =	shalt  }
0x65: {  	_ =	shalt  }
0x66: {  	_ =	shalt  }
0x67: {  	_ =	shalt  }
0x68: {  	_ =	shalt  }
0x69: {  	_ =	shalt  }
0x6a: {  	_ =	shalt  }
0x6b: {  	_ =	shalt  }
0x6c: {  	_ =	shalt  }
0x6d: {  	_ =	shalt  }
0x6e: {  	_ =	shalt  }
0x6f: {  	_ =	shalt  }
0x70: {  	_ =	shalt  }
0x71: {  	_ =	shalt  }
0x72: {  	_ =	shalt  }
0x73: {  	_ =	shalt  }
0x74: {  	_ =	shalt  }
0x75: {  	_ =	shalt  }
0x76: {  	_ =	shalt  }
0x77: {  	_ =	shalt  }
0x78: {  	_ =	shalt  }
0x79: {  	_ =	shalt  }
0x7a: {  	_ =	shalt  }
0x7b: {  	_ =	shalt  }
0x7c: {  	_ =	shalt  }
0x7d: {  	_ =	shalt  }
0x7e: {  	_ =	shalt  }
0x7f: {  	_ =	shalt  }
0x80: {  	_ =	shalt  }
0x81: {  	_ =	shalt  }
0x82: {  	_ =	shalt  }
0x83: {  	_ =	shalt  }
0x84: {  	_ =	shalt  }
0x85: {  	_ =	shalt  }
0x86: {  	_ =	shalt  }
0x87: {  	_ =	shalt  }
.Lfunc_end0:
.L_simem_size_0:
called_computation_lowered:
.L_overlay_start_0:
0x88: {  	s2 =	sld [smem:$0x3FD9]  }
0x89: {  	s3 =	sld [smem:$0x3FFE];
	_ =	sdelay $0x1  }
0x8a: {  	s1 =	srdreg.scid  }
0x8b: {  	s0 =	sand.u32 $0x1, s1  }
0x8c: {  	s17 =	sshll.u32 s0, $0xA;
	s2 =	sadd.s32 s3, s2  }
0x8d: {  	s2 =	sadd.s32 s2, s17  }
0x8e: {  	[smem:$0x3FBE] =	sst s2  }
0x8f: {  	_ = 	snop  }
0x90: {  	s2 =	sld [smem:$0x3FD0];
	(tm) =	ssettm $0x1  }
0x91: {  	s18 =	sld [smem:$0x3FFB];
	_ =	sdelay $0x3  }
0x92: {  	_ =	strace s18  }
0x93: {  	s3 =	sld [smem:$0x3FFC];
	_ =	sdelay $0x3  }
0x94: {  	_ =	strace s3  }
0x95: {  	s3 =	sld [smem:$0x3FFD];
	_ =	sdelay $0x3  }
0x96: {  	_ =	strace s3  }
0x97: {  	_ =	strace $0x8FFFFFFF  }
0x98: {  	s19 =	sld [smem:$0x3FDB];
	_ =	sdelay $0x1  }
0x99: {  	s4 =	simm.s32 $_scs_section_size  }
0x9a: {  	s5 =	simm.s32 $_size__tile_overlayer_lowered;
	s6 =	simm.s32 $_tile_overlayer_lowered  }
0x9b: {  	s22 =	simm.s32 $0x1BFF;
	s21 =	sshll.u32 s6, $0x1;
	s3 =	sadd.s32 s4, s19  }
0x9c: {  	s7 =	simm.s32 $0x0;
	s20 =	sshll.u32 s5, $0x1;
	s5 =	sadd.s32 s21, s3  }
0x9d: {  	[timem:s7], [sflag:s22] =	dma.local [hbm:s5], s20  }
0x9e: {  	_ =	swait.ge [sflag:s22], s20  }
0x9f: {  	s4 =	ssub.s32 $0x0, s20;
	[sflag:s22] =	ssyncset.done $0x0  }
0xa0: {  	[sflag:s22] =	ssyncadd.s32 s4;
	_ =	sdelay $0x1  }
0xa1: {  	s23 =	simm.s32 $0x1B8B  }
0xa2: {  	_ =	swait.ge [sflag:s23], $0x1  }
0xa3: {  	[sflag:s23] =	ssyncset.done $0x0  }
0xa4: {  	s25 =	simm.s32 $0x1B8E;
	s24 =	sld [smem:$0x3FFE];
	[sflag:s23] =	ssyncadd.s32 $0xFFFFFFFF  }
0xa5: {  	s26 =	simm.s32 $execute0_lowered;
	[smem:$0x3FD2] =	sst s25  }
0xa6: {  	s5 =	sshll.u32 s26, $0x1;
	_ =	strace $0x80000046;
	[dreg:$0x1] =	wrdreg $0xFFFFFFFF  }
0xa7: {  	s28 =	simm.s32 $_size_execute0_lowered;
	s3 =	sadd.s32 s3, s5;
	[dreg:$0x0] =	wrdreg $0x0  }
0xa8: {  	s5 =	sshll.u32 s28, $0x1;
	[dreg:$0x2] =	wrdreg s3  }
0xa9: {  	[dreg:$0x3] =	wrdreg s5  }
0xaa: {  	[dreg:$0x4] =	wrdreg $0xC0  }
0xab: {  	_ =	task [dreg:s7], $0x5FFFF  }
0xac: {  	[dreg:$0x1] =	wrdreg $0xFFFFFFFF  }
0xad: {  	[dreg:$0x0] =	wrdreg $0x60  }
0xae: {  	[dreg:$0x2] =	wrdreg s24  }
0xaf: {  	[dreg:$0x3] =	wrdreg s2  }
0xb0: {  	[dreg:$0x4] =	wrdreg $0xFE000  }
0xb1: {  	[dreg:$0x5] =	wrdreg $0x1A1000  }
0xb2: {  	[dreg:$0x6] =	wrdreg $0x9  }
0xb3: {  	_ =	task.clear_ibuf [dreg:s7], $0x7FFFF;
	_ =	strace $0x90000046  }
0xb4: {  	s29 =	simm.s32 $0x9;
	_ =	strace $0x80000048  }
0xb5: {  	_ =	swait.ge [sflag:s29], $0x1  }
0xb6: {  	[sflag:s29] =	ssyncadd.s32 $0xFFFFFFFF  }
0xb7: {  	_ =	strace $0x90000048  }
0xb8: {  	_ =	sfence  }
0xb9: {  	s30 =	sld [smem:$0x0];
	_ =	sdelay $0x2  }
0xba: {  	s31 =	sshll.u32 s1, $0xD;
	s1 =	sshrl.u32 s1, $0x2  }
0xbb: {  	s3 =	sand.u32 $0x4000, s31;
	s1 =	sadd.s32 s1, s30  }
0xbc: {  	s0 =	sor.u32 s3, s0;
	s1 =	sshll.u32 s1, $0x11  }
0xbd: {  	s0 =	sor.u32 s1, s0  }
0xbe: {  	s0 =	sadd.s32 $0x8F2B, s0  }
0xbf: {  	[sflag:s0] =	ssyncadd.remote.s32 $0x1  }
0xc0: {  	_ =	sfence.sel $0xFFFF  }
0xc1: {  	[dreg:$0x0] =	wrdreg $0xFFFFFFFF;
	(pc) =	sbr.abs _section_cstart, $3  }
0xc2: {  	[dreg:$0x1] =	wrdreg $0xFFFFFFFF  }
0xc3: {  	_ =	task.clear_ibuf [dreg:s7], $0x2FFFF;
	_ =	strace $0x9FFFFFFF  }
0xc4: {  	(tm) =	ssettm $0x7FFFFFFF  }
0xc5: {  	_ =	shalt  }
tec
execute0_lowered:
.L_overlay_start_1:
0x0: {  	(tag) =	ssettag $0x1  }
0x1: {  	s0 =	rddreg [dreg:$0x0]  }
0x2: {  	s5 =	rddreg [dreg:$0x1]  }
0x3: {  	s1 =	rddreg [dreg:$0x2]  }
0x4: {  	s2 =	srdreg.scid;
	s24 =	stileid.u32  }
0x5: {  	s3 =	rddreg [dreg:$0x3];
	s4 =	simm.s32 $0x0;
	s7 =	smul.u32 $0xA000, s24  }
0x6: {  	s19 =	simm.s32 $0xDE00;
	s21 =	simm.s32 $0x80;
	s12 =	smul.u32 $0x280, s24  }
0x7: {  	s22 =	simm.s32 $0x9E00;
	s23 =	simm.s32 $0xBE00;
	s26 =	smul.u32 $0x28000, s24  }
0x8: {  	s28 =	simm.s32 $0x3;
	s18 =	sand.u32 $0x1, s2;
	s10 =	smul.u32 $0x13C0, s24  }
0x9: {  	s29 =	simm.s32 $0x0;
	[smem:$0x7FF] =	sst s4;
	s6 =	smul.u32 $0xA0000, s18  }
0xa: {  	s24 =	simm.s32 $0x1;
	s9 =	smul.u32 $0x2800, s18;
	s30 =	ssub.s32 $0x2, s18  }
0xb: {  	_ =	strace $0x80000047;
	p0 =	seq.s32 s18, $0x1;
	s31 =	sshrl.u32 s30, $0x1  }
0xc: {  	s2 =	sadd.s32 s5, s10;
	s8 =	sshrl.u32 s6, $0x3;
	s6 =	sadd.s32 s7, s6  }
0xd: {  	s25 =	sadd.s32 s12, s9;
	s17 =	ssub.s32 s30, s31;
	[dreg:$0x5] =	wrdreg s2  }
0xe: {  	s12 =	sadd.s32 s12, s3;
	s14 =	sadd.s32 s8, s0;
	s6 =	sshrl.u32 s6, $0x3  }
0xf: {  	s8 =	sshrl.u32 s26, $0x2;
	s17 =	smax.u32 s17, $0x1;
	s15 =	sadd.s32 s6, s0  }
0x10: {  	s6 =	sshrl.u32 s25, $0x3;
	s11 =	sadd.s32 s8, s1;
	s8 =	smul.u32 $0x4F, s18  }
0x11: {  	s14 =	sadd.s32 $0x52600, s14;
	s18 =	simm.s32 $0x4;
	s25 =	simm.s32 $0x2  }
0x12: {  	s0 =	sadd.s32 s6, s0;
	s6 =	sadd.s32 s7, s1;
	s7 =	sadd.s32 $0x2000, s11  }
0x13: {  	s9 =	sadd.s32 $0x4000, s11;
	s10 =	sadd.s32 $0x6000, s11;
	s11 =	sadd.s32 $0x8000, s11  }
0x14: {  	v0 =	vimm.f32 $0.0e+00;
	v1 =	vimm.f32 $1.000000000e+00;
	s15 =	sadd.s32 $0x7B000, s15;
	s13 =	sadd.s32 $0x4F, s8;
	s16 =	sadd.s32 $0x7A600, s0  }
.LBB2_1:
0x15: {  	s0 =	simm.s32 $0x0;
	s2 =	rddreg [dreg:$0x5]  }
0x16: {  	[tilespmem:s0], [sflag:$0x4] =	stream.linear.gather [hbm4b:s2+s0], $0x9E00, $0x38;
	[tilespmem:$0x1A380] =	vst v63  }
0x17: {  	_ =	swait.ge [sflag:s18], $0x9E00  }
0x18: {  	[sflag:s18] =	ssyncset.done $0x0  }
0x19: {  	s30 =	simm.s32 $0x100;
	s0 =	simm.s32 $0x0;
	[sflag:s18] =	ssyncadd.s32 $0xFFFF6200  }
.LBB2_2:
0x1a: {  	p1 =	sne.s32 s30, $0x7F00;
	[tilespmem:s0+$0xDE30] =	vst v0;
	s31 =	smov.u32 s30;
	s30 =	sadd.s32 $0x100, s30  }
.Ltmp0:
0x1b: {  	[tilespmem:s0+$0xDE20] =	vst v0;
	(pc) =	sbr.rel @p1 .LBB2_2-.Ltmp0, $3  }
0x1c: {  	[tilespmem:s0+$0xDE00] =	vst v0  }
0x1d: {  	[tilespmem:s0+$0xDE10] =	vst v0;
	_ =	sdelay $0x1  }
0x1e: {  	s0 =	sshra.s32 s31, $0x2  }
0x1f: {  	[tilespmem:s0+$0xDE30] =	vst v0  }
0x20: {  	[tilespmem:s0+$0xDE20] =	vst v0  }
0x21: {  	[tilespmem:s0+$0xDE00] =	vst v0  }
0x22: {  	[tilespmem:s0+$0xDE10] =	vst v0  }
0x23: {  	[spmem:s6] =	stream.linear.scatter [tilespmem:s19], [sflag:$0x4], $0x2000, $0x38;
	[tilespmem:$0x1A380] =	vst v63  }
0x24: {  	_ =	swait.ge [sflag:s18], $0x2000  }
0x25: {  	[sflag:s18] =	ssyncset.done $0x0  }
0x26: {  	[sflag:s18] =	ssyncadd.s32 $0xFFFFE000  }
0x27: {  	[spmem:s7] =	stream.linear.scatter [tilespmem:s19], [sflag:$0x4], $0x2000, $0x38;
	[tilespmem:$0x1A380] =	vst v63  }
0x28: {  	_ =	swait.ge [sflag:s18], $0x2000  }
0x29: {  	[sflag:s18] =	ssyncset.done $0x0  }
0x2a: {  	[sflag:s18] =	ssyncadd.s32 $0xFFFFE000  }
0x2b: {  	[spmem:s9] =	stream.linear.scatter [tilespmem:s19], [sflag:$0x4], $0x2000, $0x38;
	[tilespmem:$0x1A380] =	vst v63  }
0x2c: {  	_ =	swait.ge [sflag:s18], $0x2000  }
0x2d: {  	[sflag:s18] =	ssyncset.done $0x0  }
0x2e: {  	[sflag:s18] =	ssyncadd.s32 $0xFFFFE000  }
0x2f: {  	[spmem:s10] =	stream.linear.scatter [tilespmem:s19], [sflag:$0x4], $0x2000, $0x38;
	[tilespmem:$0x1A380] =	vst v63  }
0x30: {  	_ =	swait.ge [sflag:s18], $0x2000  }
0x31: {  	[sflag:s18] =	ssyncset.done $0x0  }
0x32: {  	[sflag:s18] =	ssyncadd.s32 $0xFFFFE000  }
0x33: {  	[spmem:s11] =	stream.linear.scatter [tilespmem:s19], [sflag:$0x4], $0x2000, $0x38;
	[tilespmem:$0x1A380] =	vst v63  }
0x34: {  	_ =	swait.ge [sflag:s18], $0x2000  }
0x35: {  	[sflag:s18] =	ssyncset.done $0x0  }
0x36: {  	[sflag:s18] =	ssyncadd.s32 $0xFFFFE000  }
0x37: {  	[tilespmem:$0x19E80] =	vst v0  }
0x38: {  	[tilespmem:$0x19E90] =	vst v0  }
0x39: {  	[tilespmem:$0x19EA0] =	vst v0  }
0x3a: {  	[tilespmem:$0x19EB0] =	vst v0  }
0x3b: {  	[tilespmem:$0x19EC0] =	vst v0  }
0x3c: {  	[tilespmem:$0x19ED0] =	vst v0  }
0x3d: {  	[tilespmem:$0x19EE0] =	vst v0  }
0x3e: {  	[tilespmem:$0x19EF0] =	vst v0  }
0x3f: {  	[tilespmem:$0x19F00] =	vst v0  }
0x40: {  	[tilespmem:$0x19F10] =	vst v0  }
0x41: {  	[tilespmem:$0x19F20] =	vst v0  }
0x42: {  	[tilespmem:$0x19F30] =	vst v0  }
0x43: {  	[tilespmem:$0x19F40] =	vst v0  }
0x44: {  	[tilespmem:$0x19F50] =	vst v0  }
0x45: {  	[tilespmem:$0x19F60] =	vst v0  }
0x46: {  	[tilespmem:$0x19F70] =	vst v0  }
0x47: {  	[tilespmem:$0x19F80] =	vst v0  }
0x48: {  	[tilespmem:$0x19F90] =	vst v0  }
0x49: {  	[tilespmem:$0x19FA0] =	vst v0  }
0x4a: {  	[tilespmem:$0x19FB0] =	vst v0  }
0x4b: {  	[tilespmem:$0x19FC0] =	vst v0  }
0x4c: {  	[tilespmem:$0x19FD0] =	vst v0  }
0x4d: {  	[tilespmem:$0x19FE0] =	vst v0  }
0x4e: {  	[tilespmem:$0x19FF0] =	vst v0  }
0x4f: {  	[tilespmem:$0x1A000] =	vst v0  }
0x50: {  	[tilespmem:$0x1A010] =	vst v0  }
0x51: {  	[tilespmem:$0x1A020] =	vst v0  }
0x52: {  	[tilespmem:$0x1A030] =	vst v0  }
0x53: {  	[tilespmem:$0x1A040] =	vst v0  }
0x54: {  	[tilespmem:$0x1A050] =	vst v0  }
0x55: {  	[tilespmem:$0x1A060] =	vst v0  }
0x56: {  	[tilespmem:$0x1A070] =	vst v0  }
0x57: {  	[tilespmem:$0x1A080] =	vst v0  }
0x58: {  	[tilespmem:$0x1A090] =	vst v0  }
0x59: {  	[tilespmem:$0x1A0A0] =	vst v0  }
0x5a: {  	[tilespmem:$0x1A0B0] =	vst v0  }
0x5b: {  	[tilespmem:$0x1A0C0] =	vst v0  }
0x5c: {  	[tilespmem:$0x1A0D0] =	vst v0  }
0x5d: {  	[tilespmem:$0x1A0E0] =	vst v0  }
0x5e: {  	[tilespmem:$0x1A0F0] =	vst v0  }
0x5f: {  	[tilespmem:$0x19E00] =	vst v1  }
0x60: {  	[tilespmem:$0x19E10] =	vst v1  }
0x61: {  	[tilespmem:$0x19E20] =	vst v1  }
0x62: {  	[tilespmem:$0x19E30] =	vst v1  }
0x63: {  	[tilespmem:$0x19E40] =	vst v1  }
0x64: {  	[tilespmem:$0x19E50] =	vst v1  }
0x65: {  	[tilespmem:$0x19E60] =	vst v1  }
0x66: {  	s5 =	simm.s32 $0x19E80;
	[tilespmem:$0x19E70] =	vst v1  }
0x67: {  	[spmem:s12] =	stream.linear.scatter [tilespmem:s5], [sflag:$0x4], $0x280, $0x38;
	[tilespmem:$0x1A380] =	vst v63  }
0x68: {  	_ =	swait.ge [sflag:s18], $0x280  }
0x69: {  	[sflag:s18] =	ssyncset.done $0x0  }
0x6a: {  	[sflag:s18] =	ssyncadd.s32 $0xFFFFFD80  }
0x6b: {  	s20 =	simm.s32 $0x0;
	[bflag:$0x0] =	sbarrier.arrive $0xFFFF  }
0x6c: {  	[tilespmem:s22], [sflag:$0x1] =	stream.indirect.gather [hbm4b:s14+s21], $0x40, s20, s21, $0xb8;
	[tilespmem:$0x1A380] =	vst v63  }
0x6d: {  	_ = 	snop  }
0x6e: {  	[tilespmem:s23], [sflag:$0x2] =	stream.indirect.gather [hbm4b:s14+s21], $0x40, s21, s21, $0xb8;
	[tilespmem:$0x1A380] =	vst v63  }
0x6f: {  	_ =	swait.ge [sflag:s24], $0x2000  }
0x70: {  	[sflag:s24] =	ssyncset.done $0x0  }
0x71: {  	s0 =	simm.s32 $0x4F00;
	p1 =	sgt.u32 s8, $0x0;
	[sflag:s24] =	ssyncadd.s32 $0xFFFFE000  }
0x72: {  	[spmem:s1] =	stream.indirect.scatter.add.f32 [tilespmem:s22], [sflag:$0x4], $0x40, s0, s21, $0xb8;
	[tilespmem:$0x1A380] =	vst v63  }
0x73: {  	p2 =	sle.u32 @!p1 s13, $0x0;
	_ =	swait.ge [sflag:s18], $0x2000  }
0x74: {  	p1 =	por p2, p1;
	[sflag:s18] =	ssyncset.done $0x0  }
0x75: {  	s30 =	simm.s32 @!p1 $0x80;
	s31 =	simm.s32 @!p1 $0x19E00;
	[sflag:s18] =	ssyncadd.s32 $0xFFFFE000  }
0x76: {  	[spmem:s3] =	stream.indirect.scatter.add.f32 @!p1 [tilespmem:s31], [sflag:$0x3], $0x1, s0, s30, $0xb8;
	[tilespmem:$0x1A380] =	vst v63  }
0x77: {  	s26 =	simm.s32 $0x100  }
0x78: {  	[tilespmem:s22], [sflag:$0x1] =	stream.indirect.gather [hbm4b:s14+s21], $0x40, s26, s21, $0xb8;
	[tilespmem:$0x1A380] =	vst v63  }
0x79: {  	_ =	swait.ge [sflag:s25], $0x2000  }
0x7a: {  	[sflag:s25] =	ssyncset.done $0x0  }
0x7b: {  	s0 =	simm.s32 $0x4F80;
	p1 =	sgt.u32 s8, $0x1;
	[sflag:s25] =	ssyncadd.s32 $0xFFFFE000  }
0x7c: {  	[spmem:s1] =	stream.indirect.scatter.add.f32 [tilespmem:s23], [sflag:$0x4], $0x40, s0, s21, $0xb8;
	[tilespmem:$0x1A380] =	vst v63  }
0x7d: {  	p2 =	sle.u32 @!p1 s13, $0x1;
	_ =	swait.ge [sflag:s18], $0x2000  }
0x7e: {  	p1 =	por p2, p1;
	[sflag:s18] =	ssyncset.done $0x0  }
0x7f: {  	s30 =	simm.s32 @!p1 $0x80;
	s31 =	simm.s32 @!p1 $0x19E00;
	[sflag:s18] =	ssyncadd.s32 $0xFFFFE000  }
0x80: {  	[spmem:s3] =	stream.indirect.scatter.add.f32 @!p1 [tilespmem:s31], [sflag:$0x3], $0x1, s0, s30, $0xb8;
	[tilespmem:$0x1A380] =	vst v63  }
0x81: {  	s30 =	simm.s32 $0x1;
	s31 =	simm.s32 $0x400;
	s0 =	simm.s32 $0x180  }
.LBB2_4:
0x82: {  	s30 =	sadd.s32 $0x2, s30;
	s4 =	smov.u32 s31;
	s31 =	sadd.s32 $0x400, s31  }
0x83: {  	[tilespmem:s23], [sflag:$0x2] =	stream.indirect.gather [hbm4b:s14+s21], $0x40, s0, s21, $0xb8;
	[tilespmem:$0x1A380] =	vst v63  }
0x84: {  	p1 =	sne.s32 s31, $0x13800;
	_ =	swait.ge [sflag:s24], $0x2000  }
0x85: {  	s4 =	sshra.s32 s4, $0x2;
	[sflag:s24] =	ssyncset.done $0x0  }
0x86: {  	s20 =	sadd.s32 $0xFFFFFFFF, s30;
	s2 =	sadd.s32 $0x4F00, s4;
	[sflag:s24] =	ssyncadd.s32 $0xFFFFE000  }
0x87: {  	[spmem:s1] =	stream.indirect.scatter.add.f32 [tilespmem:s22], [sflag:$0x4], $0x40, s2, s21, $0xb8;
	[tilespmem:$0x1A380] =	vst v63  }
0x88: {  	p2 =	slt.u32 s20, s8;
	s0 =	sadd.s32 $0x180, s4;
	_ =	swait.ge [sflag:s18], $0x2000  }
0x89: {  	p3 =	sge.u32 @!p2 s20, s13;
	[sflag:s18] =	ssyncset.done $0x0  }
0x8a: {  	p2 =	por p3, p2;
	[sflag:s18] =	ssyncadd.s32 $0xFFFFE000  }
0x8b: {  	s5 =	sadd.s32 $0x100, s4;
	s20 =	simm.s32 @!p2 $0x80;
	s26 =	simm.s32 @!p2 $0x19E00  }
0x8c: {  	[spmem:s3] =	stream.indirect.scatter.add.f32 @!p2 [tilespmem:s26], [sflag:$0x3], $0x1, s2, s20, $0xb8;
	[tilespmem:$0x1A380] =	vst v63  }
0x8d: {  	_ = 	snop  }
0x8e: {  	[tilespmem:s22], [sflag:$0x1] =	stream.indirect.gather [hbm4b:s14+s21], $0x40, s5, s21, $0xb8;
	[tilespmem:$0x1A380] =	vst v63  }
0x8f: {  	_ =	swait.ge [sflag:s25], $0x2000  }
0x90: {  	s2 =	sadd.s32 $0x4F80, s4;
	[sflag:s25] =	ssyncset.done $0x0  }
0x91: {  	p2 =	slt.u32 s30, s8;
	[sflag:s25] =	ssyncadd.s32 $0xFFFFE000  }
0x92: {  	[spmem:s1] =	stream.indirect.scatter.add.f32 [tilespmem:s23], [sflag:$0x4], $0x40, s2, s21, $0xb8;
	[tilespmem:$0x1A380] =	vst v63  }
.Ltmp1:
0x93: {  	_ = 	snop;
	(pc) =	sbr.rel @p1 .LBB2_4-.Ltmp1, $4  }
0x94: {  	p3 =	sge.u32 @!p2 s30, s13;
	_ =	swait.ge [sflag:s18], $0x2000  }
0x95: {  	p2 =	por p3, p2;
	[sflag:s18] =	ssyncset.done $0x0  }
0x96: {  	s4 =	simm.s32 @!p2 $0x80;
	s5 =	simm.s32 @!p2 $0x19E00;
	[sflag:s18] =	ssyncadd.s32 $0xFFFFE000  }
0x97: {  	[spmem:s3] =	stream.indirect.scatter.add.f32 @!p2 [tilespmem:s5], [sflag:$0x3], $0x1, s2, s4, $0xb8;
	[tilespmem:$0x1A380] =	vst v63  }
0x98: {  	[tilespmem:s23], [sflag:$0x2] =	stream.indirect.gather [hbm4b:s14+s21], $0x40, s0, s21, $0xb8;
	[tilespmem:$0x1A380] =	vst v63  }
0x99: {  	_ =	swait.ge [sflag:s24], $0x2000  }
0x9a: {  	[sflag:s24] =	ssyncset.done $0x0  }
0x9b: {  	s31 =	simm.s32 $0x9D00;
	[sflag:s24] =	ssyncadd.s32 $0xFFFFE000  }
0x9c: {  	[spmem:s1] =	stream.indirect.scatter.add.f32 [tilespmem:s22], [sflag:$0x4], $0x40, s31, s21, $0xb8;
	[tilespmem:$0x1A380] =	vst v63  }
0x9d: {  	_ =	swait.ge [sflag:s18], $0x2000  }
0x9e: {  	[sflag:s18] =	ssyncset.done $0x0  }
0x9f: {  	s0 =	simm.s32 @!p0 $0x2;
	[sflag:s18] =	ssyncadd.s32 $0xFFFFE000  }
0xa0: {  	_ =	swait.ge @!p0 [sflag:s0], $0x2000  }
0xa1: {  	s2 =	simm.s32 @!p0 $0x9D80;
	[sflag:s0] =	ssyncset.done @!p0 $0x0  }
0xa2: {  	s4 =	simm.s32 @!p0 $0xBE00;
	[sflag:s0] =	ssyncadd.s32 @!p0 $0xFFFFE000;
	s0 =	simm.s32 @!p0 $0x80  }
0xa3: {  	[spmem:s1] =	stream.indirect.scatter.add.f32 @!p0 [tilespmem:s4], [sflag:$0x4], $0x40, s2, s0, $0xb8;
	[tilespmem:$0x1A380] =	vst v63  }
0xa4: {  	s0 =	simm.s32 @!p0 $0x4  }
0xa5: {  	_ =	swait.ge @!p0 [sflag:s0], $0x2000  }
0xa6: {  	s2 =	simm.s32 @p0 $0x9D00;
	[sflag:s0] =	ssyncset.done @!p0 $0x0  }
0xa7: {  	s4 =	simm.s32 @p0 $0x19E00;
	[sflag:s0] =	ssyncadd.s32 @!p0 $0xFFFFE000;
	s0 =	simm.s32 @p0 $0x80  }
0xa8: {  	[spmem:s3] =	stream.indirect.scatter.add.f32 @p0 [tilespmem:s4], [sflag:$0x3], $0x1, s2, s0, $0xb8;
	[tilespmem:$0x1A380] =	vst v63  }
0xa9: {  	s2 =	simm.s32 @p0 $0x2  }
0xaa: {  	_ =	swait.ge @p0 [sflag:s2], $0x2000  }
0xab: {  	[sflag:s2] =	ssyncset.done @p0 $0x0  }
0xac: {  	s5 =	simm.s32 @p0 $0xBE00;
	[sflag:s2] =	ssyncadd.s32 @p0 $0xFFFFE000;
	s2 =	simm.s32 @p0 $0x9D80  }
0xad: {  	[spmem:s1] =	stream.indirect.scatter.add.f32 @p0 [tilespmem:s5], [sflag:$0x4], $0x40, s2, s0, $0xb8;
	[tilespmem:$0x1A380] =	vst v63  }
0xae: {  	s5 =	simm.s32 @p0 $0x4  }
0xaf: {  	_ =	swait.ge @p0 [sflag:s5], $0x2000  }
0xb0: {  	[sflag:s5] =	ssyncset.done @p0 $0x0  }
0xb1: {  	[sflag:s5] =	ssyncadd.s32 @p0 $0xFFFFE000  }
0xb2: {  	[spmem:s3] =	stream.indirect.scatter.add.f32 @p0 [tilespmem:s4], [sflag:$0x3], $0x1, s2, s0, $0xb8;
	[tilespmem:$0x1A380] =	vst v63  }
0xb3: {  	_ =	swait.ge [sflag:s28], $0x80  }
0xb4: {  	s0 =	simm.s32 $0x4E;
	[sflag:s28] =	ssyncset.done $0x0  }
.LBB2_6:
0xb5: {  	p1 =	sne.s32 s0, $0x1;
	s0 =	sadd.s32 $0xFFFFFFFF, s0;
	[sflag:s28] =	ssyncadd.s32 $0xFFFFFF80  }
.Ltmp2:
0xb6: {  	(pc) =	sbr.rel @p1 .LBB2_6-.Ltmp2, $3  }
0xb7: {  	_ =	sdelay $0x1  }
0xb8: {  	_ =	swait.ge [sflag:s28], $0x80  }
0xb9: {  	[sflag:s28] =	ssyncset.done $0x0  }
0xba: {  	s0 =	stileid.u32  }
0xbb: {  	[sflag:s28] =	ssyncadd.s32 $0xFFFFFF80;
	s0 =	sshll.u32 s0, $0x6  }
0xbc: {  	s2 =	sshrl.u32 s6, $0x3;
	[bflag:$0x0] =	sbarrier.arrive $0xFFFF;
	s0 =	sor.u32 $0x1C04, s0  }
0xbd: {  	[hbm:s15], [sflag:s0] =	dma.local [spmem:s2], $0x1400  }
0xbe: {  	s29 =	sadd.s32 $0x1, s29;
	_ =	swait.ge [sflag:s18], $0x1400  }
0xbf: {  	p1 =	sne.s32 s29, s17;
	[sflag:s18] =	ssyncset.done $0x0  }
.Ltmp3:
0xc0: {  	s31 =	sshrl.u32 s12, $0x3;
	[sflag:s18] =	ssyncadd.s32 $0xFFFFEC00;
	(pc) =	sbr.rel @p1 .LBB2_1-.Ltmp3, $4  }
0xc1: {  	[hbm:s16], [sflag:s0] =	dma.local [spmem:s31], $0x50  }
0xc2: {  	_ =	swait.ge [sflag:s18], $0x50  }
0xc3: {  	[sflag:s18] =	ssyncset.done $0x0  }
0xc4: {  	[sflag:s18] =	ssyncadd.s32 $0xFFFFFFB0  }
0xc5: {  	_ =	sfence.sel $0x180000  }
0xc6: {  	[bflag:$0x0] =	sbarrier.arrive $0xFFFF  }
0xc7: {  	_ =	strace $0x90000047  }
0xc8: {  	s0 =	stileid.u32;
	[bflag:$0x2] =	sbarrier.arrive $0xFFFF  }
0xc9: {  	p0 =	sne.s32 s0, $0x0;
	s0 =	rddreg [dreg:$0x4]  }
0xca: {  	s0 =	sadd.s32 @!p0 $0x100000, s0  }
0xcb: {  	[sflag:s0] =	ssyncadd.tile.s32 @!p0 $0x1;
	_ =	shalt  }
.Lfunc_end2:
_tile_overlayer_lowered:
.L_overlay_start_2:
0xcc: {  	(tag) =	ssettag $0x2  }
0xcd: {  	s0 =	rddreg [dreg:$0x0];
	s2 =	stileid.u32  }
0xce: {  	s1 =	rddreg [dreg:$0x1];
	p0 =	sne.s32 s2, $0x0  }
0xcf: {  	s3 =	rddreg [dreg:$0x2];
	[bflag:$0x3] =	sbarrier.arrive $0xFFFF;
	s2 =	simm.s32 @!p0 $0x1C04  }
0xd0: {  	[timem:s3], [sflag:s2] =	dma.local @!p0 [hbm:s0], s1  }
0xd1: {  	s0 =	simm.s32 @!p0 $0x4  }
0xd2: {  	_ =	swait.ge @!p0 [sflag:s0], s1  }
0xd3: {  	s1 =	ssub.s32 @!p0 $0x0, s1;
	[sflag:s0] =	ssyncset.done @!p0 $0x0  }
0xd4: {  	[sflag:s0] =	ssyncadd.s32 @!p0 s1  }
0xd5: {  	[bflag:$0x3] =	sbarrier.arrive $0xFFFF  }
0xd6: {  	_ =	shalt  }

</sc_bundles>
